<compile_context>
chip_gen: v7x
topology: tpu7x:2x2x1
jax: 0.10.2.dev20260603
libtpu: 0.0.44.dev20260713+nightly
codegen_flags: <defaults>
</compile_context>

<pallas_src>
import functools

import jax
import jax.numpy as jnp
from jax.experimental import pallas as pl
from jax.experimental.pallas import tpu as pltpu
from jax.experimental.pallas import tpu_sc as plsc

_B = 4096
_N = 1000
_BBLK = 1024
_GRID = _B // _BBLK
_NC = 2
_NS = 16
_NW = _NC * _NS
_SPW = _B // _NW
_L = 16


def _tc_argmax_body(x0_ref, x1_ref, a_ref, b_ref):
    a_ref[...] = jnp.argmax(x0_ref[0], axis=0).astype(jnp.int32).reshape(1, -1)
    b_ref[...] = jnp.argmax(x1_ref[0], axis=0).astype(jnp.int32).reshape(1, -1)


def _tc_argmax(xt):
    return pl.pallas_call(
        _tc_argmax_body,
        grid=(_GRID,),
        in_specs=[
            pl.BlockSpec((1, _N, _BBLK), lambda i: (0, 0, i)),
            pl.BlockSpec((1, _N, _BBLK), lambda i: (1, 0, i)),
        ],
        out_specs=[
            pl.BlockSpec((1, _BBLK), lambda i: (0, i)),
            pl.BlockSpec((1, _BBLK), lambda i: (0, i)),
        ],
        out_shape=[
            jax.ShapeDtypeStruct((1, _B), jnp.int32),
            jax.ShapeDtypeStruct((1, _B), jnp.int32),
        ],
    )(xt, xt)


def _sc_pair_body(a_hbm, b_hbm, tabf_hbm, tbaf_hbm, out_hbm,
                  ia_v, ib_v, pa_v, pb_v, g3_v, g6_v, acc_v, sem):
    wid = jax.lax.axis_index("s") * _NC + jax.lax.axis_index("c")
    base = wid * _SPW
    ca = pltpu.make_async_copy(a_hbm.at[pl.ds(base, _SPW)], ia_v, sem)
    cb = pltpu.make_async_copy(b_hbm.at[pl.ds(base, _SPW)], ib_v, sem)
    ca.start()
    cb.start()
    ca.wait()
    cb.wait()

    for k in range(_SPW // _L):
        av = ia_v[pl.ds(k * _L, _L)]
        bv = ib_v[pl.ds(k * _L, _L)]
        pa_v[pl.ds(k * _L, _L)] = bv * _N + av
        pb_v[pl.ds(k * _L, _L)] = av * _N + bv

    c3 = pltpu.make_async_copy(tabf_hbm.at[pa_v], g3_v, sem)
    c6 = pltpu.make_async_copy(tbaf_hbm.at[pb_v], g6_v, sem)
    c3.start()
    c6.start()
    c3.wait()
    c6.wait()

    def accum(g_ref):
        acc = jnp.zeros((_L,), jnp.float32)
        for k in range(_SPW // _L):
            acc = acc + g_ref[pl.ds(k * _L, _L)]
        return acc

    acc_v[pl.ds(0, _L)] = accum(g3_v)
    acc_v[pl.ds(_L, _L)] = accum(g6_v)
    pltpu.sync_copy(acc_v, out_hbm.at[wid])


def _sc_pair(a_i, b_i, tabf, tbaf):
    mesh = plsc.VectorSubcoreMesh(core_axis_name="c", subcore_axis_name="s",
                                  num_cores=_NC, num_subcores=_NS)
    f = functools.partial(
        pl.kernel,
        out_type=jax.ShapeDtypeStruct((_NW, 2 * _L), jnp.float32),
        mesh=mesh,
        scratch_types=[
            pltpu.VMEM((_SPW,), jnp.int32),
            pltpu.VMEM((_SPW,), jnp.int32),
            pltpu.VMEM((_SPW,), jnp.int32),
            pltpu.VMEM((_SPW,), jnp.int32),
            pltpu.VMEM((_SPW,), jnp.float32),
            pltpu.VMEM((_SPW,), jnp.float32),
            pltpu.VMEM((2 * _L,), jnp.float32),
            pltpu.SemaphoreType.DMA,
        ],
    )(_sc_pair_body)
    return f(a_i, b_i, tabf, tbaf)


_SGRID = 8
_TROWS = 128
_HCH = 128


def _tc_stats_body(tab_ref, tba_ref, p1ab_ref, p1ba_ref, a_ref, b_ref,
                   misc_ref, mab_v, sab_v, mba_v, sba_v, ha_v, hb_v):
    i = pl.program_id(0)

    @pl.when(i == 0)
    def _init():
        for m_v, s_v in ((mab_v, sab_v), (mba_v, sba_v)):
            m_v[...] = jnp.full((1, _N), -3.0e38, jnp.float32)
            s_v[...] = jnp.zeros((1, _N), jnp.float32)
        for h_v in (ha_v, hb_v):
            h_v[...] = jnp.zeros((1, _N), jnp.float32)

    liota = jax.lax.broadcasted_iota(jnp.int32, (1, _N), 1)
    for idx_ref, h_v in ((a_ref, ha_v), (b_ref, hb_v)):
        col = idx_ref[0].reshape(_B // _SGRID, 1)
        h = h_v[...]
        for c in range(_B // _SGRID // _HCH):
            blk = jax.lax.slice(col, (c * _HCH, 0), ((c + 1) * _HCH, 1))
            eq = (blk == liota).astype(jnp.float32)
            h = h + jnp.sum(eq, axis=0, keepdims=True)
        h_v[...] = h

    rowbase = i * _TROWS
    riota = jax.lax.broadcasted_iota(jnp.int32, (_TROWS, _N), 0)
    valid = riota < (_N - rowbase)
    for t_ref, m_v, s_v in ((tab_ref, mab_v, sab_v), (tba_ref, mba_v, sba_v)):
        t = jnp.where(valid, t_ref[...], -3.0e38)
        bm = jnp.max(t, axis=0, keepdims=True)
        mnew = jnp.maximum(m_v[...], bm)
        bsum = jnp.sum(jnp.exp(t - mnew), axis=0, keepdims=True)
        s_v[...] = s_v[...] * jnp.exp(m_v[...] - mnew) + bsum
        m_v[...] = mnew

    @pl.when(i == _SGRID - 1)
    def _final():
        def lse1(p_ref):
            p = p_ref[...]
            m = jnp.max(p)
            return m + jnp.log(jnp.sum(jnp.exp(p - m)))

        terms = []
        for p1_ref, m_v, s_v, h_v in ((p1ab_ref, mab_v, sab_v, ha_v),
                                      (p1ba_ref, mba_v, sba_v, hb_v)):
            cn = m_v[...] + jnp.log(s_v[...])
            terms.append(jnp.sum((p1_ref[...] - cn) * h_v[...]))
            terms.append(lse1(p1_ref))

        lane = jax.lax.broadcasted_iota(jnp.int32, (1, 8), 1)
        misc_ref[...] = (jnp.where(lane == 0, terms[0], 0.0)
                         + jnp.where(lane == 1, terms[1], 0.0)
                         + jnp.where(lane == 2, terms[2], 0.0)
                         + jnp.where(lane == 3, terms[3], 0.0))


def _tc_stats(tab, tba, p1ab2, p1ba2, a2, b2):
    return pl.pallas_call(
        _tc_stats_body,
        grid=(_SGRID,),
        in_specs=[
            pl.BlockSpec((_TROWS, _N), lambda i: (i, 0)),
            pl.BlockSpec((_TROWS, _N), lambda i: (i, 0)),
            pl.BlockSpec((1, _N), lambda i: (0, 0)),
            pl.BlockSpec((1, _N), lambda i: (0, 0)),
            pl.BlockSpec((1, _B // _SGRID), lambda i: (0, i)),
            pl.BlockSpec((1, _B // _SGRID), lambda i: (0, i)),
        ],
        out_specs=pl.BlockSpec((1, 8), lambda i: (0, 0)),
        out_shape=jax.ShapeDtypeStruct((1, 8), jnp.float32),
        scratch_shapes=[
            pltpu.VMEM((1, _N), jnp.float32),
            pltpu.VMEM((1, _N), jnp.float32),
            pltpu.VMEM((1, _N), jnp.float32),
            pltpu.VMEM((1, _N), jnp.float32),
            pltpu.VMEM((1, _N), jnp.float32),
            pltpu.VMEM((1, _N), jnp.float32),
        ],
    )(tab, tba, p1ab2, p1ba2, a2, b2)


def _tc_combine_body(part_ref, misc_ref, gamma_ref, out_ref):
    col = jax.lax.broadcasted_iota(jnp.int32, (_NW, 2 * _L), 1)
    part = part_ref[...]
    pa = jnp.sum(jnp.where(col < _L, part, 0.0))
    pb = jnp.sum(jnp.where(col >= _L, part, 0.0))

    def bc(x):
        return jnp.full((1, 8), x, jnp.float32)

    g0 = bc(gamma_ref[0, 0])
    g1 = bc(gamma_ref[0, 1])
    mg = jnp.maximum(g0, g1)
    lseg = mg + jnp.log(jnp.exp(g0 - mg) + jnp.exp(g1 - mg))
    m_ab = ((g0 - lseg) + bc(pa) + bc(misc_ref[0, 0])
            - jnp.float32(_B) * bc(misc_ref[0, 1]))
    m_ba = ((g1 - lseg) + bc(pb) + bc(misc_ref[0, 2])
            - jnp.float32(_B) * bc(misc_ref[0, 3]))
    mm = jnp.maximum(m_ab, m_ba)
    out_ref[...] = mm + jnp.log(jnp.exp(m_ab - mm) + jnp.exp(m_ba - mm))


def _tc_combine(part, misc, gamma2):
    return pl.pallas_call(
        _tc_combine_body,
        out_shape=jax.ShapeDtypeStruct((1, 8), jnp.float32),
    )(part, misc, gamma2)


def kernel(samples, P_1_AB, P_2_1_AB, P_1_BA, P_2_1_BA, gamma):
    b, mdim, n = samples.shape
    xt = jnp.transpose(samples, (1, 2, 0))
    a2, b2 = _tc_argmax(xt)
    part = _sc_pair(a2.reshape(b), b2.reshape(b),
                    P_2_1_AB.reshape(n * n), P_2_1_BA.reshape(n * n))
    misc = _tc_stats(P_2_1_AB, P_2_1_BA,
                     P_1_AB.reshape(1, n), P_1_BA.reshape(1, n), a2, b2)
    out = _tc_combine(part, misc, gamma.reshape(1, 2))
    return out[0, 0]

# --- scband reference (transcript-rebuilt; emitter-appended) ---
"""Pipeline reference for scband-binary-subset-structural-model-11433202942345 (READ-ONLY COPY).

The authoritative reference and input builder live on the scoring server;
editing this copy changes nothing except your own understanding.
"""

import jax, jax.numpy as jnp
import numpy as np

N = 1000
M = 10
A_IND = 0
B_IND = 1
BATCH = 4096


def setup_inputs(seed: int = 0) -> dict:
    key = jax.random.key(seed)
    k1, k2, k3, k4, k5, k6 = jax.random.split(key, 6)
    samples = jax.random.normal(k1, (BATCH, M, N), dtype=jnp.float32)
    P_1_AB = jax.random.normal(k2, (N,), dtype=jnp.float32) * 0.1
    P_2_1_AB = jax.random.normal(k3, (N, N), dtype=jnp.float32) * 0.1
    P_1_BA = jax.random.normal(k4, (N,), dtype=jnp.float32) * 0.1
    P_2_1_BA = jax.random.normal(k5, (N, N), dtype=jnp.float32) * 0.1
    gamma = jax.random.normal(k6, (2,), dtype=jnp.float32) * 0.1
    return {"samples": samples, "P_1_AB": P_1_AB, "P_2_1_AB": P_2_1_AB, "P_1_BA": P_1_BA, "P_2_1_BA": P_2_1_BA, "gamma": gamma}


def _cause_loglik(samples, P_1, P_2_1, node_1, node_2):
    node_1_vals = jnp.argmax(samples[:, node_1, :], axis=-1)
    node_2_vals = jnp.argmax(samples[:, node_2, :], axis=-1)
    normalizer = jax.scipy.special.logsumexp(P_1, axis=0)
    marginal = P_1[node_1_vals] - normalizer
    cond_normalizer = jax.scipy.special.logsumexp(P_2_1, axis=0)
    conditional = P_2_1[node_2_vals, node_1_vals] - cond_normalizer[node_1_vals]
    return marginal + conditional


def reference(samples, P_1_AB, P_2_1_AB, P_1_BA, P_2_1_BA, gamma):
    log_model_weights = gamma - jax.scipy.special.logsumexp(gamma, axis=0)
    model_A_B_logL = log_model_weights[0] + jnp.sum(_cause_loglik(samples, P_1_AB, P_2_1_AB, A_IND, B_IND))
    model_B_A_logL = log_model_weights[1] + jnp.sum(_cause_loglik(samples, P_1_BA, P_2_1_BA, B_IND, A_IND))
    shared_logL = jnp.maximum(model_A_B_logL, model_B_A_logL)
    remaining_A_B = model_A_B_logL - shared_logL
    remaining_B_A = model_B_A_logL - shared_logL
    return shared_logL + jnp.log(jnp.exp(remaining_A_B) + jnp.exp(remaining_B_A))

if __name__ == "__main__":
    import jax
    _d = setup_inputs()
    print(jax.jit(kernel)(*tuple(_d.values())))

</pallas_src>

<mosaic_0001>
#map = affine_map<(d0, d1) -> (0)>
#map1 = affine_map<(d0, d1) -> (0, 0)>
module attributes {stable_mosaic.version = 14 : i64} {
  func.func @_sc_pair_body(%arg0: i32, %arg1: i32, %arg2: memref<4096xi32, #tpu.memory_space<hbm>>, %arg3: memref<4096xi32, #tpu.memory_space<hbm>>, %arg4: memref<1000000xf32, #tpu.memory_space<hbm>>, %arg5: memref<1000000xf32, #tpu.memory_space<hbm>>, %arg6: memref<32x32xf32, #tpu.memory_space<hbm>>, %arg7: memref<128xi32, #tpu.memory_space<vmem>>, %arg8: memref<128xi32, #tpu.memory_space<vmem>>, %arg9: memref<128xi32, #tpu.memory_space<vmem>>, %arg10: memref<128xi32, #tpu.memory_space<vmem>>, %arg11: memref<128xf32, #tpu.memory_space<vmem>>, %arg12: memref<128xf32, #tpu.memory_space<vmem>>, %arg13: memref<32xf32, #tpu.memory_space<vmem>>, %arg14: memref<!tpu.dma_semaphore, #tpu.memory_space<semaphore_mem>>) attributes {dimension_semantics = [#tpu.dimension_semantics<core_parallel>, #tpu.dimension_semantics<subcore_parallel>], iteration_bounds = array<i64: 2, 16>, scalar_prefetch = 0 : i64, scratch_operands = 8 : i64, tpu.core_type = #tpu.core_type<sc_vector_subcore>, window_params = [{transform_indices = #map}, {transform_indices = #map}, {transform_indices = #map}, {transform_indices = #map}, {transform_indices = #map1}]} {
    %mul3A = arith.constant 2 : i32
    %mul3A_0 = arith.muli %arg1, %mul3A : i32
    %add3A = arith.addi %mul3A_0, %arg0 : i32
    %mul3A_1 = arith.constant 128 : i32
    %mul3A_2 = arith.muli %add3A, %mul3A_1 : i32
    %dma_start3A = tpu.memref_slice %arg2[%mul3A_2] : memref<4096xi32, #tpu.memory_space<hbm>> -> memref<128xi32, #tpu.memory_space<hbm>>
    %dma_start3A_3 = tpu.memref_slice %arg2[%mul3A_2] : memref<4096xi32, #tpu.memory_space<hbm>> -> memref<128xi32, #tpu.memory_space<hbm>>
    tpu.enqueue_dma source(%dma_start3A_3 : memref<128xi32, #tpu.memory_space<hbm>>) target(%arg7 : memref<128xi32, #tpu.memory_space<vmem>>) target_semaphore(%arg14 : memref<!tpu.dma_semaphore, #tpu.memory_space<semaphore_mem>>)
    %dma_start3A_4 = tpu.memref_slice %arg3[%mul3A_2] : memref<4096xi32, #tpu.memory_space<hbm>> -> memref<128xi32, #tpu.memory_space<hbm>>
    %dma_start3A_5 = tpu.memref_slice %arg3[%mul3A_2] : memref<4096xi32, #tpu.memory_space<hbm>> -> memref<128xi32, #tpu.memory_space<hbm>>
    tpu.enqueue_dma source(%dma_start3A_5 : memref<128xi32, #tpu.memory_space<hbm>>) target(%arg8 : memref<128xi32, #tpu.memory_space<vmem>>) target_semaphore(%arg14 : memref<!tpu.dma_semaphore, #tpu.memory_space<semaphore_mem>>)
    %dma_wait3A = tpu.memref_slice %arg2[%mul3A_2] : memref<4096xi32, #tpu.memory_space<hbm>> -> memref<128xi32, #tpu.memory_space<hbm>>
    %dma_wait3A_6 = tpu.memref_slice %arg2[%mul3A_2] : memref<4096xi32, #tpu.memory_space<hbm>> -> memref<128xi32, #tpu.memory_space<hbm>>
    tpu.wait_dma2 semaphore(%arg14 : memref<!tpu.dma_semaphore, #tpu.memory_space<semaphore_mem>>) src(%dma_wait3A_6 : memref<128xi32, #tpu.memory_space<hbm>>) dst(%arg7 : memref<128xi32, #tpu.memory_space<vmem>>)
    %dma_wait3A_7 = tpu.memref_slice %arg3[%mul3A_2] : memref<4096xi32, #tpu.memory_space<hbm>> -> memref<128xi32, #tpu.memory_space<hbm>>
    %dma_wait3A_8 = tpu.memref_slice %arg3[%mul3A_2] : memref<4096xi32, #tpu.memory_space<hbm>> -> memref<128xi32, #tpu.memory_space<hbm>>
    tpu.wait_dma2 semaphore(%arg14 : memref<!tpu.dma_semaphore, #tpu.memory_space<semaphore_mem>>) src(%dma_wait3A_8 : memref<128xi32, #tpu.memory_space<hbm>>) dst(%arg8 : memref<128xi32, #tpu.memory_space<vmem>>)
    %get3A = arith.constant 0 : index
    %get3A_9 = tpu.vector_load %arg7[%get3A] {strides = array<i32>} : memref<128xi32, #tpu.memory_space<vmem>>, vector<16xi32>,
    %get3A_10 = vector.shape_cast %get3A_9 : vector<16xi32> to vector<16xi32>
    %get3A_11 = arith.constant 0 : index
    %get3A_12 = tpu.vector_load %arg8[%get3A_11] {strides = array<i32>} : memref<128xi32, #tpu.memory_space<vmem>>, vector<16xi32>,
    %get3A_13 = vector.shape_cast %get3A_12 : vector<16xi32> to vector<16xi32>
    %mul3A_14 = arith.constant 1000 : i32
    %mul3A_15 = vector.broadcast %mul3A_14 : i32 to vector<16xi32>
    %mul3A_16 = arith.muli %get3A_13, %mul3A_15 : vector<16xi32>
    %add3A_17 = arith.addi %mul3A_16, %get3A_10 : vector<16xi32>
    %swap3A = arith.constant 0 : index
    %swap3A_18 = tpu.vector_load %arg9[%swap3A] {strides = array<i32>} : memref<128xi32, #tpu.memory_space<vmem>>, vector<16xi32>,
    %swap3A_19 = vector.shape_cast %swap3A_18 : vector<16xi32> to vector<16xi32>
    %swap3A_20 = vector.shape_cast %add3A_17 : vector<16xi32> to vector<16xi32>
    tpu.vector_store %arg9[%swap3A], %swap3A_20 {strides = array<i32>} : memref<128xi32, #tpu.memory_space<vmem>>, vector<16xi32>,
    %mul3A_21 = arith.constant 1000 : i32
    %mul3A_22 = vector.broadcast %mul3A_21 : i32 to vector<16xi32>
    %mul3A_23 = arith.muli %get3A_10, %mul3A_22 : vector<16xi32>
    %add3A_24 = arith.addi %mul3A_23, %get3A_13 : vector<16xi32>
    %swap3A_25 = arith.constant 0 : index
    %swap3A_26 = tpu.vector_load %arg10[%swap3A_25] {strides = array<i32>} : memref<128xi32, #tpu.memory_space<vmem>>, vector<16xi32>,
    %swap3A_27 = vector.shape_cast %swap3A_26 : vector<16xi32> to vector<16xi32>
    %swap3A_28 = vector.shape_cast %add3A_24 : vector<16xi32> to vector<16xi32>
    tpu.vector_store %arg10[%swap3A_25], %swap3A_28 {strides = array<i32>} : memref<128xi32, #tpu.memory_space<vmem>>, vector<16xi32>,
    %get3A_29 = arith.constant 16 : index
    %get3A_30 = tpu.vector_load %arg7[%get3A_29] {strides = array<i32>} : memref<128xi32, #tpu.memory_space<vmem>>, vector<16xi32>,
    %get3A_31 = vector.shape_cast %get3A_30 : vector<16xi32> to vector<16xi32>
    %get3A_32 = arith.constant 16 : index
    %get3A_33 = tpu.vector_load %arg8[%get3A_32] {strides = array<i32>} : memref<128xi32, #tpu.memory_space<vmem>>, vector<16xi32>,
    %get3A_34 = vector.shape_cast %get3A_33 : vector<16xi32> to vector<16xi32>
    %mul3A_35 = arith.constant 1000 : i32
    %mul3A_36 = vector.broadcast %mul3A_35 : i32 to vector<16xi32>
    %mul3A_37 = arith.muli %get3A_34, %mul3A_36 : vector<16xi32>
    %add3A_38 = arith.addi %mul3A_37, %get3A_31 : vector<16xi32>
    %swap3A_39 = arith.constant 16 : index
    %swap3A_40 = tpu.vector_load %arg9[%swap3A_39] {strides = array<i32>} : memref<128xi32, #tpu.memory_space<vmem>>, vector<16xi32>,
    %swap3A_41 = vector.shape_cast %swap3A_40 : vector<16xi32> to vector<16xi32>
    %swap3A_42 = vector.shape_cast %add3A_38 : vector<16xi32> to vector<16xi32>
    tpu.vector_store %arg9[%swap3A_39], %swap3A_42 {strides = array<i32>} : memref<128xi32, #tpu.memory_space<vmem>>, vector<16xi32>,
    %mul3A_43 = arith.constant 1000 : i32
    %mul3A_44 = vector.broadcast %mul3A_43 : i32 to vector<16xi32>
    %mul3A_45 = arith.muli %get3A_31, %mul3A_44 : vector<16xi32>
    %add3A_46 = arith.addi %mul3A_45, %get3A_34 : vector<16xi32>
    %swap3A_47 = arith.constant 16 : index
    %swap3A_48 = tpu.vector_load %arg10[%swap3A_47] {strides = array<i32>} : memref<128xi32, #tpu.memory_space<vmem>>, vector<16xi32>,
    %swap3A_49 = vector.shape_cast %swap3A_48 : vector<16xi32> to vector<16xi32>
    %swap3A_50 = vector.shape_cast %add3A_46 : vector<16xi32> to vector<16xi32>
    tpu.vector_store %arg10[%swap3A_47], %swap3A_50 {strides = array<i32>} : memref<128xi32, #tpu.memory_space<vmem>>, vector<16xi32>,
    %get3A_51 = arith.constant 32 : index
    %get3A_52 = tpu.vector_load %arg7[%get3A_51] {strides = array<i32>} : memref<128xi32, #tpu.memory_space<vmem>>, vector<16xi32>,
    %get3A_53 = vector.shape_cast %get3A_52 : vector<16xi32> to vector<16xi32>
    %get3A_54 = arith.constant 32 : index
    %get3A_55 = tpu.vector_load %arg8[%get3A_54] {strides = array<i32>} : memref<128xi32, #tpu.memory_space<vmem>>, vector<16xi32>,
    %get3A_56 = vector.shape_cast %get3A_55 : vector<16xi32> to vector<16xi32>
    %mul3A_57 = arith.constant 1000 : i32
    %mul3A_58 = vector.broadcast %mul3A_57 : i32 to vector<16xi32>
    %mul3A_59 = arith.muli %get3A_56, %mul3A_58 : vector<16xi32>
    %add3A_60 = arith.addi %mul3A_59, %get3A_53 : vector<16xi32>
    %swap3A_61 = arith.constant 32 : index
    %swap3A_62 = tpu.vector_load %arg9[%swap3A_61] {strides = array<i32>} : memref<128xi32, #tpu.memory_space<vmem>>, vector<16xi32>,
    %swap3A_63 = vector.shape_cast %swap3A_62 : vector<16xi32> to vector<16xi32>
    %swap3A_64 = vector.shape_cast %add3A_60 : vector<16xi32> to vector<16xi32>
    tpu.vector_store %arg9[%swap3A_61], %swap3A_64 {strides = array<i32>} : memref<128xi32, #tpu.memory_space<vmem>>, vector<16xi32>,
    %mul3A_65 = arith.constant 1000 : i32
    %mul3A_66 = vector.broadcast %mul3A_65 : i32 to vector<16xi32>
    %mul3A_67 = arith.muli %get3A_53, %mul3A_66 : vector<16xi32>
    %add3A_68 = arith.addi %mul3A_67, %get3A_56 : vector<16xi32>
    %swap3A_69 = arith.constant 32 : index
    %swap3A_70 = tpu.vector_load %arg10[%swap3A_69] {strides = array<i32>} : memref<128xi32, #tpu.memory_space<vmem>>, vector<16xi32>,
    %swap3A_71 = vector.shape_cast %swap3A_70 : vector<16xi32> to vector<16xi32>
    %swap3A_72 = vector.shape_cast %add3A_68 : vector<16xi32> to vector<16xi32>
    tpu.vector_store %arg10[%swap3A_69], %swap3A_72 {strides = array<i32>} : memref<128xi32, #tpu.memory_space<vmem>>, vector<16xi32>,
    %get3A_73 = arith.constant 48 : index
    %get3A_74 = tpu.vector_load %arg7[%get3A_73] {strides = array<i32>} : memref<128xi32, #tpu.memory_space<vmem>>, vector<16xi32>,
    %get3A_75 = vector.shape_cast %get3A_74 : vector<16xi32> to vector<16xi32>
    %get3A_76 = arith.constant 48 : index
    %get3A_77 = tpu.vector_load %arg8[%get3A_76] {strides = array<i32>} : memref<128xi32, #tpu.memory_space<vmem>>, vector<16xi32>,
    %get3A_78 = vector.shape_cast %get3A_77 : vector<16xi32> to vector<16xi32>
    %mul3A_79 = arith.constant 1000 : i32
    %mul3A_80 = vector.broadcast %mul3A_79 : i32 to vector<16xi32>
    %mul3A_81 = arith.muli %get3A_78, %mul3A_80 : vector<16xi32>
    %add3A_82 = arith.addi %mul3A_81, %get3A_75 : vector<16xi32>
    %swap3A_83 = arith.constant 48 : index
    %swap3A_84 = tpu.vector_load %arg9[%swap3A_83] {strides = array<i32>} : memref<128xi32, #tpu.memory_space<vmem>>, vector<16xi32>,
    %swap3A_85 = vector.shape_cast %swap3A_84 : vector<16xi32> to vector<16xi32>
    %swap3A_86 = vector.shape_cast %add3A_82 : vector<16xi32> to vector<16xi32>
    tpu.vector_store %arg9[%swap3A_83], %swap3A_86 {strides = array<i32>} : memref<128xi32, #tpu.memory_space<vmem>>, vector<16xi32>,
    %mul3A_87 = arith.constant 1000 : i32
    %mul3A_88 = vector.broadcast %mul3A_87 : i32 to vector<16xi32>
    %mul3A_89 = arith.muli %get3A_75, %mul3A_88 : vector<16xi32>
    %add3A_90 = arith.addi %mul3A_89, %get3A_78 : vector<16xi32>
    %swap3A_91 = arith.constant 48 : index
    %swap3A_92 = tpu.vector_load %arg10[%swap3A_91] {strides = array<i32>} : memref<128xi32, #tpu.memory_space<vmem>>, vector<16xi32>,
    %swap3A_93 = vector.shape_cast %swap3A_92 : vector<16xi32> to vector<16xi32>
    %swap3A_94 = vector.shape_cast %add3A_90 : vector<16xi32> to vector<16xi32>
    tpu.vector_store %arg10[%swap3A_91], %swap3A_94 {strides = array<i32>} : memref<128xi32, #tpu.memory_space<vmem>>, vector<16xi32>,
    %get3A_95 = arith.constant 64 : index
    %get3A_96 = tpu.vector_load %arg7[%get3A_95] {strides = array<i32>} : memref<128xi32, #tpu.memory_space<vmem>>, vector<16xi32>,
    %get3A_97 = vector.shape_cast %get3A_96 : vector<16xi32> to vector<16xi32>
    %get3A_98 = arith.constant 64 : index
    %get3A_99 = tpu.vector_load %arg8[%get3A_98] {strides = array<i32>} : memref<128xi32, #tpu.memory_space<vmem>>, vector<16xi32>,
    %get3A_100 = vector.shape_cast %get3A_99 : vector<16xi32> to vector<16xi32>
    %mul3A_101 = arith.constant 1000 : i32
    %mul3A_102 = vector.broadcast %mul3A_101 : i32 to vector<16xi32>
    %mul3A_103 = arith.muli %get3A_100, %mul3A_102 : vector<16xi32>
    %add3A_104 = arith.addi %mul3A_103, %get3A_97 : vector<16xi32>
    %swap3A_105 = arith.constant 64 : index
    %swap3A_106 = tpu.vector_load %arg9[%swap3A_105] {strides = array<i32>} : memref<128xi32, #tpu.memory_space<vmem>>, vector<16xi32>,
    %swap3A_107 = vector.shape_cast %swap3A_106 : vector<16xi32> to vector<16xi32>
    %swap3A_108 = vector.shape_cast %add3A_104 : vector<16xi32> to vector<16xi32>
    tpu.vector_store %arg9[%swap3A_105], %swap3A_108 {strides = array<i32>} : memref<128xi32, #tpu.memory_space<vmem>>, vector<16xi32>,
    %mul3A_109 = arith.constant 1000 : i32
    %mul3A_110 = vector.broadcast %mul3A_109 : i32 to vector<16xi32>
    %mul3A_111 = arith.muli %get3A_97, %mul3A_110 : vector<16xi32>
    %add3A_112 = arith.addi %mul3A_111, %get3A_100 : vector<16xi32>
    %swap3A_113 = arith.constant 64 : index
    %swap3A_114 = tpu.vector_load %arg10[%swap3A_113] {strides = array<i32>} : memref<128xi32, #tpu.memory_space<vmem>>, vector<16xi32>,
    %swap3A_115 = vector.shape_cast %swap3A_114 : vector<16xi32> to vector<16xi32>
    %swap3A_116 = vector.shape_cast %add3A_112 : vector<16xi32> to vector<16xi32>
    tpu.vector_store %arg10[%swap3A_113], %swap3A_116 {strides = array<i32>} : memref<128xi32, #tpu.memory_space<vmem>>, vector<16xi32>,
    %get3A_117 = arith.constant 80 : index
    %get3A_118 = tpu.vector_load %arg7[%get3A_117] {strides = array<i32>} : memref<128xi32, #tpu.memory_space<vmem>>, vector<16xi32>,
    %get3A_119 = vector.shape_cast %get3A_118 : vector<16xi32> to vector<16xi32>
    %get3A_120 = arith.constant 80 : index
    %get3A_121 = tpu.vector_load %arg8[%get3A_120] {strides = array<i32>} : memref<128xi32, #tpu.memory_space<vmem>>, vector<16xi32>,
    %get3A_122 = vector.shape_cast %get3A_121 : vector<16xi32> to vector<16xi32>
    %mul3A_123 = arith.constant 1000 : i32
    %mul3A_124 = vector.broadcast %mul3A_123 : i32 to vector<16xi32>
    %mul3A_125 = arith.muli %get3A_122, %mul3A_124 : vector<16xi32>
    %add3A_126 = arith.addi %mul3A_125, %get3A_119 : vector<16xi32>
    %swap3A_127 = arith.constant 80 : index
    %swap3A_128 = tpu.vector_load %arg9[%swap3A_127] {strides = array<i32>} : memref<128xi32, #tpu.memory_space<vmem>>, vector<16xi32>,
    %swap3A_129 = vector.shape_cast %swap3A_128 : vector<16xi32> to vector<16xi32>
    %swap3A_130 = vector.shape_cast %add3A_126 : vector<16xi32> to vector<16xi32>
    tpu.vector_store %arg9[%swap3A_127], %swap3A_130 {strides = array<i32>} : memref<128xi32, #tpu.memory_space<vmem>>, vector<16xi32>,
    %mul3A_131 = arith.constant 1000 : i32
    %mul3A_132 = vector.broadcast %mul3A_131 : i32 to vector<16xi32>
    %mul3A_133 = arith.muli %get3A_119, %mul3A_132 : vector<16xi32>
    %add3A_134 = arith.addi %mul3A_133, %get3A_122 : vector<16xi32>
    %swap3A_135 = arith.constant 80 : index
    %swap3A_136 = tpu.vector_load %arg10[%swap3A_135] {strides = array<i32>} : memref<128xi32, #tpu.memory_space<vmem>>, vector<16xi32>,
    %swap3A_137 = vector.shape_cast %swap3A_136 : vector<16xi32> to vector<16xi32>
    %swap3A_138 = vector.shape_cast %add3A_134 : vector<16xi32> to vector<16xi32>
    tpu.vector_store %arg10[%swap3A_135], %swap3A_138 {strides = array<i32>} : memref<128xi32, #tpu.memory_space<vmem>>, vector<16xi32>,
    %get3A_139 = arith.constant 96 : index
    %get3A_140 = tpu.vector_load %arg7[%get3A_139] {strides = array<i32>} : memref<128xi32, #tpu.memory_space<vmem>>, vector<16xi32>,
    %get3A_141 = vector.shape_cast %get3A_140 : vector<16xi32> to vector<16xi32>
    %get3A_142 = arith.constant 96 : index
    %get3A_143 = tpu.vector_load %arg8[%get3A_142] {strides = array<i32>} : memref<128xi32, #tpu.memory_space<vmem>>, vector<16xi32>,
    %get3A_144 = vector.shape_cast %get3A_143 : vector<16xi32> to vector<16xi32>
    %mul3A_145 = arith.constant 1000 : i32
    %mul3A_146 = vector.broadcast %mul3A_145 : i32 to vector<16xi32>
    %mul3A_147 = arith.muli %get3A_144, %mul3A_146 : vector<16xi32>
    %add3A_148 = arith.addi %mul3A_147, %get3A_141 : vector<16xi32>
    %swap3A_149 = arith.constant 96 : index
    %swap3A_150 = tpu.vector_load %arg9[%swap3A_149] {strides = array<i32>} : memref<128xi32, #tpu.memory_space<vmem>>, vector<16xi32>,
    %swap3A_151 = vector.shape_cast %swap3A_150 : vector<16xi32> to vector<16xi32>
    %swap3A_152 = vector.shape_cast %add3A_148 : vector<16xi32> to vector<16xi32>
    tpu.vector_store %arg9[%swap3A_149], %swap3A_152 {strides = array<i32>} : memref<128xi32, #tpu.memory_space<vmem>>, vector<16xi32>,
    %mul3A_153 = arith.constant 1000 : i32
    %mul3A_154 = vector.broadcast %mul3A_153 : i32 to vector<16xi32>
    %mul3A_155 = arith.muli %get3A_141, %mul3A_154 : vector<16xi32>
    %add3A_156 = arith.addi %mul3A_155, %get3A_144 : vector<16xi32>
    %swap3A_157 = arith.constant 96 : index
    %swap3A_158 = tpu.vector_load %arg10[%swap3A_157] {strides = array<i32>} : memref<128xi32, #tpu.memory_space<vmem>>, vector<16xi32>,
    %swap3A_159 = vector.shape_cast %swap3A_158 : vector<16xi32> to vector<16xi32>
    %swap3A_160 = vector.shape_cast %add3A_156 : vector<16xi32> to vector<16xi32>
    tpu.vector_store %arg10[%swap3A_157], %swap3A_160 {strides = array<i32>} : memref<128xi32, #tpu.memory_space<vmem>>, vector<16xi32>,
    %get3A_161 = arith.constant 112 : index
    %get3A_162 = tpu.vector_load %arg7[%get3A_161] {strides = array<i32>} : memref<128xi32, #tpu.memory_space<vmem>>, vector<16xi32>,
    %get3A_163 = vector.shape_cast %get3A_162 : vector<16xi32> to vector<16xi32>
    %get3A_164 = arith.constant 112 : index
    %get3A_165 = tpu.vector_load %arg8[%get3A_164] {strides = array<i32>} : memref<128xi32, #tpu.memory_space<vmem>>, vector<16xi32>,
    %get3A_166 = vector.shape_cast %get3A_165 : vector<16xi32> to vector<16xi32>
    %mul3A_167 = arith.constant 1000 : i32
    %mul3A_168 = vector.broadcast %mul3A_167 : i32 to vector<16xi32>
    %mul3A_169 = arith.muli %get3A_166, %mul3A_168 : vector<16xi32>
    %add3A_170 = arith.addi %mul3A_169, %get3A_163 : vector<16xi32>
    %swap3A_171 = arith.constant 112 : index
    %swap3A_172 = tpu.vector_load %arg9[%swap3A_171] {strides = array<i32>} : memref<128xi32, #tpu.memory_space<vmem>>, vector<16xi32>,
    %swap3A_173 = vector.shape_cast %swap3A_172 : vector<16xi32> to vector<16xi32>
    %swap3A_174 = vector.shape_cast %add3A_170 : vector<16xi32> to vector<16xi32>
    tpu.vector_store %arg9[%swap3A_171], %swap3A_174 {strides = array<i32>} : memref<128xi32, #tpu.memory_space<vmem>>, vector<16xi32>,
    %mul3A_175 = arith.constant 1000 : i32
    %mul3A_176 = vector.broadcast %mul3A_175 : i32 to vector<16xi32>
    %mul3A_177 = arith.muli %get3A_163, %mul3A_176 : vector<16xi32>
    %add3A_178 = arith.addi %mul3A_177, %get3A_166 : vector<16xi32>
    %swap3A_179 = arith.constant 112 : index
    %swap3A_180 = tpu.vector_load %arg10[%swap3A_179] {strides = array<i32>} : memref<128xi32, #tpu.memory_space<vmem>>, vector<16xi32>,
    %swap3A_181 = vector.shape_cast %swap3A_180 : vector<16xi32> to vector<16xi32>
    %swap3A_182 = vector.shape_cast %add3A_178 : vector<16xi32> to vector<16xi32>
    tpu.vector_store %arg10[%swap3A_179], %swap3A_182 {strides = array<i32>} : memref<128xi32, #tpu.memory_space<vmem>>, vector<16xi32>,
    %dma_start3A_183 = arith.constant 0 : i32
    %dma_start3A_184 = tpu.memref_slice %arg4[%dma_start3A_183] : memref<1000000xf32, #tpu.memory_space<hbm>> -> memref<1000000xf32, #tpu.memory_space<hbm>>
    tpu.enqueue_indirect_dma source(%dma_start3A_184 : memref<1000000xf32, #tpu.memory_space<hbm>>) target(%arg11 : memref<128xf32, #tpu.memory_space<vmem>>) offsets(%arg9 : memref<128xi32, #tpu.memory_space<vmem>>) semaphore(%arg14 : memref<!tpu.dma_semaphore, #tpu.memory_space<semaphore_mem>>)
    %dma_start3A_185 = arith.constant 0 : i32
    %dma_start3A_186 = tpu.memref_slice %arg5[%dma_start3A_185] : memref<1000000xf32, #tpu.memory_space<hbm>> -> memref<1000000xf32, #tpu.memory_space<hbm>>
    tpu.enqueue_indirect_dma source(%dma_start3A_186 : memref<1000000xf32, #tpu.memory_space<hbm>>) target(%arg12 : memref<128xf32, #tpu.memory_space<vmem>>) offsets(%arg10 : memref<128xi32, #tpu.memory_space<vmem>>) semaphore(%arg14 : memref<!tpu.dma_semaphore, #tpu.memory_space<semaphore_mem>>)
    %dma_wait3A_187 = arith.constant 0 : i32
    %dma_wait3A_188 = tpu.memref_slice %arg4[%dma_wait3A_187] : memref<1000000xf32, #tpu.memory_space<hbm>> -> memref<1000000xf32, #tpu.memory_space<hbm>>
    tpu.wait_indirect_dma semaphore(%arg14 : memref<!tpu.dma_semaphore, #tpu.memory_space<semaphore_mem>>) src(%dma_wait3A_188 : memref<1000000xf32, #tpu.memory_space<hbm>>) dst(%arg11 : memref<128xf32, #tpu.memory_space<vmem>>)
    %dma_wait3A_189 = arith.constant 0 : i32
    %dma_wait3A_190 = tpu.memref_slice %arg5[%dma_wait3A_189] : memref<1000000xf32, #tpu.memory_space<hbm>> -> memref<1000000xf32, #tpu.memory_space<hbm>>
    tpu.wait_indirect_dma semaphore(%arg14 : memref<!tpu.dma_semaphore, #tpu.memory_space<semaphore_mem>>) src(%dma_wait3A_190 : memref<1000000xf32, #tpu.memory_space<hbm>>) dst(%arg12 : memref<128xf32, #tpu.memory_space<vmem>>)
    %broadcast_in_dim3A = arith.constant 0.000000e+00 : f32
    %broadcast_in_dim3A_191 = vector.broadcast %broadcast_in_dim3A : f32 to vector<16xf32>
    %get3A_192 = arith.constant 0 : index
    %get3A_193 = tpu.vector_load %arg11[%get3A_192] {strides = array<i32>} : memref<128xf32, #tpu.memory_space<vmem>>, vector<16xf32>,
    %get3A_194 = vector.shape_cast %get3A_193 : vector<16xf32> to vector<16xf32>
    %add3A_195 = arith.addf %broadcast_in_dim3A_191, %get3A_194 : vector<16xf32>
    %get3A_196 = arith.constant 16 : index
    %get3A_197 = tpu.vector_load %arg11[%get3A_196] {strides = array<i32>} : memref<128xf32, #tpu.memory_space<vmem>>, vector<16xf32>,
    %get3A_198 = vector.shape_cast %get3A_197 : vector<16xf32> to vector<16xf32>
    %add3A_199 = arith.addf %add3A_195, %get3A_198 : vector<16xf32>
    %get3A_200 = arith.constant 32 : index
    %get3A_201 = tpu.vector_load %arg11[%get3A_200] {strides = array<i32>} : memref<128xf32, #tpu.memory_space<vmem>>, vector<16xf32>,
    %get3A_202 = vector.shape_cast %get3A_201 : vector<16xf32> to vector<16xf32>
    %add3A_203 = arith.addf %add3A_199, %get3A_202 : vector<16xf32>
    %get3A_204 = arith.constant 48 : index
    %get3A_205 = tpu.vector_load %arg11[%get3A_204] {strides = array<i32>} : memref<128xf32, #tpu.memory_space<vmem>>, vector<16xf32>,
    %get3A_206 = vector.shape_cast %get3A_205 : vector<16xf32> to vector<16xf32>
    %add3A_207 = arith.addf %add3A_203, %get3A_206 : vector<16xf32>
    %get3A_208 = arith.constant 64 : index
    %get3A_209 = tpu.vector_load %arg11[%get3A_208] {strides = array<i32>} : memref<128xf32, #tpu.memory_space<vmem>>, vector<16xf32>,
    %get3A_210 = vector.shape_cast %get3A_209 : vector<16xf32> to vector<16xf32>
    %add3A_211 = arith.addf %add3A_207, %get3A_210 : vector<16xf32>
    %get3A_212 = arith.constant 80 : index
    %get3A_213 = tpu.vector_load %arg11[%get3A_212] {strides = array<i32>} : memref<128xf32, #tpu.memory_space<vmem>>, vector<16xf32>,
    %get3A_214 = vector.shape_cast %get3A_213 : vector<16xf32> to vector<16xf32>
    %add3A_215 = arith.addf %add3A_211, %get3A_214 : vector<16xf32>
    %get3A_216 = arith.constant 96 : index
    %get3A_217 = tpu.vector_load %arg11[%get3A_216] {strides = array<i32>} : memref<128xf32, #tpu.memory_space<vmem>>, vector<16xf32>,
    %get3A_218 = vector.shape_cast %get3A_217 : vector<16xf32> to vector<16xf32>
    %add3A_219 = arith.addf %add3A_215, %get3A_218 : vector<16xf32>
    %get3A_220 = arith.constant 112 : index
    %get3A_221 = tpu.vector_load %arg11[%get3A_220] {strides = array<i32>} : memref<128xf32, #tpu.memory_space<vmem>>, vector<16xf32>,
    %get3A_222 = vector.shape_cast %get3A_221 : vector<16xf32> to vector<16xf32>
    %add3A_223 = arith.addf %add3A_219, %get3A_222 : vector<16xf32>
    %swap3A_224 = arith.constant 0 : index
    %swap3A_225 = tpu.vector_load %arg13[%swap3A_224] {strides = array<i32>} : memref<32xf32, #tpu.memory_space<vmem>>, vector<16xf32>,
    %swap3A_226 = vector.shape_cast %swap3A_225 : vector<16xf32> to vector<16xf32>
    %swap3A_227 = vector.shape_cast %add3A_223 : vector<16xf32> to vector<16xf32>
    tpu.vector_store %arg13[%swap3A_224], %swap3A_227 {strides = array<i32>} : memref<32xf32, #tpu.memory_space<vmem>>, vector<16xf32>,
    %broadcast_in_dim3A_228 = arith.constant 0.000000e+00 : f32
    %broadcast_in_dim3A_229 = vector.broadcast %broadcast_in_dim3A_228 : f32 to vector<16xf32>
    %get3A_230 = arith.constant 0 : index
    %get3A_231 = tpu.vector_load %arg12[%get3A_230] {strides = array<i32>} : memref<128xf32, #tpu.memory_space<vmem>>, vector<16xf32>,
    %get3A_232 = vector.shape_cast %get3A_231 : vector<16xf32> to vector<16xf32>
    %add3A_233 = arith.addf %broadcast_in_dim3A_229, %get3A_232 : vector<16xf32>
    %get3A_234 = arith.constant 16 : index
    %get3A_235 = tpu.vector_load %arg12[%get3A_234] {strides = array<i32>} : memref<128xf32, #tpu.memory_space<vmem>>, vector<16xf32>,
    %get3A_236 = vector.shape_cast %get3A_235 : vector<16xf32> to vector<16xf32>
    %add3A_237 = arith.addf %add3A_233, %get3A_236 : vector<16xf32>
    %get3A_238 = arith.constant 32 : index
    %get3A_239 = tpu.vector_load %arg12[%get3A_238] {strides = array<i32>} : memref<128xf32, #tpu.memory_space<vmem>>, vector<16xf32>,
    %get3A_240 = vector.shape_cast %get3A_239 : vector<16xf32> to vector<16xf32>
    %add3A_241 = arith.addf %add3A_237, %get3A_240 : vector<16xf32>
    %get3A_242 = arith.constant 48 : index
    %get3A_243 = tpu.vector_load %arg12[%get3A_242] {strides = array<i32>} : memref<128xf32, #tpu.memory_space<vmem>>, vector<16xf32>,
    %get3A_244 = vector.shape_cast %get3A_243 : vector<16xf32> to vector<16xf32>
    %add3A_245 = arith.addf %add3A_241, %get3A_244 : vector<16xf32>
    %get3A_246 = arith.constant 64 : index
    %get3A_247 = tpu.vector_load %arg12[%get3A_246] {strides = array<i32>} : memref<128xf32, #tpu.memory_space<vmem>>, vector<16xf32>,
    %get3A_248 = vector.shape_cast %get3A_247 : vector<16xf32> to vector<16xf32>
    %add3A_249 = arith.addf %add3A_245, %get3A_248 : vector<16xf32>
    %get3A_250 = arith.constant 80 : index
    %get3A_251 = tpu.vector_load %arg12[%get3A_250] {strides = array<i32>} : memref<128xf32, #tpu.memory_space<vmem>>, vector<16xf32>,
    %get3A_252 = vector.shape_cast %get3A_251 : vector<16xf32> to vector<16xf32>
    %add3A_253 = arith.addf %add3A_249, %get3A_252 : vector<16xf32>
    %get3A_254 = arith.constant 96 : index
    %get3A_255 = tpu.vector_load %arg12[%get3A_254] {strides = array<i32>} : memref<128xf32, #tpu.memory_space<vmem>>, vector<16xf32>,
    %get3A_256 = vector.shape_cast %get3A_255 : vector<16xf32> to vector<16xf32>
    %add3A_257 = arith.addf %add3A_253, %get3A_256 : vector<16xf32>
    %get3A_258 = arith.constant 112 : index
    %get3A_259 = tpu.vector_load %arg12[%get3A_258] {strides = array<i32>} : memref<128xf32, #tpu.memory_space<vmem>>, vector<16xf32>,
    %get3A_260 = vector.shape_cast %get3A_259 : vector<16xf32> to vector<16xf32>
    %add3A_261 = arith.addf %add3A_257, %get3A_260 : vector<16xf32>
    %swap3A_262 = arith.constant 16 : index
    %swap3A_263 = tpu.vector_load %arg13[%swap3A_262] {strides = array<i32>} : memref<32xf32, #tpu.memory_space<vmem>>, vector<16xf32>,
    %swap3A_264 = vector.shape_cast %swap3A_263 : vector<16xf32> to vector<16xf32>
    %swap3A_265 = vector.shape_cast %add3A_261 : vector<16xf32> to vector<16xf32>
    tpu.vector_store %arg13[%swap3A_262], %swap3A_265 {strides = array<i32>} : memref<32xf32, #tpu.memory_space<vmem>>, vector<16xf32>,
    "tpu.region"() ({
      %run_scoped3A = tpu.sem_alloc : memref<!tpu.dma_semaphore, #tpu.memory_space<semaphore_mem>>
      %dma_start3A_266 = arith.constant 0 : i32
      %dma_start3A_267 = tpu.memref_slice %arg6[%add3A, %dma_start3A_266] : memref<32x32xf32, #tpu.memory_space<hbm>> -> memref<1x32xf32, #tpu.memory_space<hbm>>
      %dma_start3A_268 = tpu.memref_squeeze %dma_start3A_267 : memref<1x32xf32, #tpu.memory_space<hbm>> -> memref<32xf32, #tpu.memory_space<hbm>>
      %dma_start3A_269 = arith.constant 0 : i32
      %dma_start3A_270 = tpu.memref_slice %arg6[%add3A, %dma_start3A_269] : memref<32x32xf32, #tpu.memory_space<hbm>> -> memref<1x32xf32, #tpu.memory_space<hbm>>
      %dma_start3A_271 = tpu.memref_squeeze %dma_start3A_270 : memref<1x32xf32, #tpu.memory_space<hbm>> -> memref<32xf32, #tpu.memory_space<hbm>>
      tpu.enqueue_dma source(%arg13 : memref<32xf32, #tpu.memory_space<vmem>>) target(%dma_start3A_271 : memref<32xf32, #tpu.memory_space<hbm>>) target_semaphore(%run_scoped3A : memref<!tpu.dma_semaphore, #tpu.memory_space<semaphore_mem>>)
      %dma_wait3A_272 = arith.constant 0 : i32
      %dma_wait3A_273 = tpu.memref_slice %arg6[%add3A, %dma_wait3A_272] : memref<32x32xf32, #tpu.memory_space<hbm>> -> memref<1x32xf32, #tpu.memory_space<hbm>>
      %dma_wait3A_274 = tpu.memref_squeeze %dma_wait3A_273 : memref<1x32xf32, #tpu.memory_space<hbm>> -> memref<32xf32, #tpu.memory_space<hbm>>
      %dma_wait3A_275 = arith.constant 0 : i32
      %dma_wait3A_276 = tpu.memref_slice %arg6[%add3A, %dma_wait3A_275] : memref<32x32xf32, #tpu.memory_space<hbm>> -> memref<1x32xf32, #tpu.memory_space<hbm>>
      %dma_wait3A_277 = tpu.memref_squeeze %dma_wait3A_276 : memref<1x32xf32, #tpu.memory_space<hbm>> -> memref<32xf32, #tpu.memory_space<hbm>>
      tpu.wait_dma2 semaphore(%run_scoped3A : memref<!tpu.dma_semaphore, #tpu.memory_space<semaphore_mem>>) src(%arg13 : memref<32xf32, #tpu.memory_space<vmem>>) dst(%dma_wait3A_277 : memref<32xf32, #tpu.memory_space<hbm>>)
      tpu.yield
    }) : () -> ()
    return
  }
}

module attributes {stable_mosaic.version = 14 : i64} {
  func.func @_tc_combine_body(%arg0: memref<32x32xf32, #tpu.memory_space<vmem>>, %arg1: memref<1x8xf32, #tpu.memory_space<vmem>>, %arg2: memref<1x2xf32, #tpu.memory_space<vmem>>, %arg3: memref<1x8xf32, #tpu.memory_space<vmem>>) attributes {dimension_semantics = [], scalar_prefetch = 0 : i64, scratch_operands = 0 : i64, tpu.core_type = #tpu.core_type<tc>} {
    %iota3A = tpu.iota {dimensions = array<i32: 1>} : vector<32x32xi32>
    %get3A = arith.constant 0 : index
    %get3A_0 = arith.constant 0 : index
    %get3A_1 = vector.load %arg0[%get3A, %get3A_0] : memref<32x32xf32, #tpu.memory_space<vmem>>, vector<32x32xf32>
    %lt3A = arith.constant 16 : i32
    %lt3A_2 = vector.broadcast %lt3A : i32 to vector<32x32xi32>
    %lt3A_3 = arith.cmpi slt, %iota3A, %lt3A_2 : vector<32x32xi32>
    %jit3A = arith.constant 0.000000e+00 : f32
    %broadcast_in_dim3A = vector.broadcast %jit3A : f32 to vector<32x32xf32>
    %select_n3A = arith.select %lt3A_3, %get3A_1, %broadcast_in_dim3A : vector<32x32xi1>, vector<32x32xf32>
    %reduce_sum3A = vector.shape_cast %select_n3A : vector<32x32xf32> to vector<1x32x32xf32>
    %reduce_sum3A_4 = arith.constant dense<0.000000e+00> : vector<1xf32>
    %reduce_sum3A_5 = vector.multi_reduction <add>, %reduce_sum3A, %reduce_sum3A_4 [1, 2] : vector<1x32x32xf32> to vector<1xf32>
    %reduce_sum3A_6 = vector.shape_cast %reduce_sum3A_5 : vector<1xf32> to vector<1x1x1xf32>
    %reduce_sum3A_7 = vector.extract %reduce_sum3A_6[0, 0, 0] : f32 from vector<1x1x1xf32>
    %ge3A = arith.constant 16 : i32
    %ge3A_8 = vector.broadcast %ge3A : i32 to vector<32x32xi32>
    %ge3A_9 = arith.cmpi sge, %iota3A, %ge3A_8 : vector<32x32xi32>
    %jit3A_10 = arith.constant 0.000000e+00 : f32
    %broadcast_in_dim3A_11 = vector.broadcast %jit3A_10 : f32 to vector<32x32xf32>
    %select_n3A_12 = arith.select %ge3A_9, %get3A_1, %broadcast_in_dim3A_11 : vector<32x32xi1>, vector<32x32xf32>
    %reduce_sum3A_13 = vector.shape_cast %select_n3A_12 : vector<32x32xf32> to vector<1x32x32xf32>
    %reduce_sum3A_14 = arith.constant dense<0.000000e+00> : vector<1xf32>
    %reduce_sum3A_15 = vector.multi_reduction <add>, %reduce_sum3A_13, %reduce_sum3A_14 [1, 2] : vector<1x32x32xf32> to vector<1xf32>
    %reduce_sum3A_16 = vector.shape_cast %reduce_sum3A_15 : vector<1xf32> to vector<1x1x1xf32>
    %reduce_sum3A_17 = vector.extract %reduce_sum3A_16[0, 0, 0] : f32 from vector<1x1x1xf32>
    %get3A_18 = arith.constant 0 : index
    %get3A_19 = arith.constant 0 : index
    %get3A_20 = vector.load %arg2[%get3A_18, %get3A_19] : memref<1x2xf32, #tpu.memory_space<vmem>>, vector<1x1xf32>
    %get3A_21 = vector.extract %get3A_20[0, 0] : f32 from vector<1x1xf32>
    %broadcast_in_dim3A_22 = vector.broadcast %get3A_21 : f32 to vector<1x8xf32>
    %get3A_23 = arith.constant 0 : index
    %get3A_24 = arith.constant 1 : index
    %get3A_25 = vector.load %arg2[%get3A_23, %get3A_24] : memref<1x2xf32, #tpu.memory_space<vmem>>, vector<1x1xf32>
    %get3A_26 = vector.extract %get3A_25[0, 0] : f32 from vector<1x1xf32>
    %broadcast_in_dim3A_27 = vector.broadcast %get3A_26 : f32 to vector<1x8xf32>
    %max3A = arith.maximumf %broadcast_in_dim3A_22, %broadcast_in_dim3A_27 : vector<1x8xf32>
    %sub3A = arith.subf %broadcast_in_dim3A_22, %max3A : vector<1x8xf32>
    %exp3A = math.exp %sub3A : vector<1x8xf32>
    %sub3A_28 = arith.subf %broadcast_in_dim3A_27, %max3A : vector<1x8xf32>
    %exp3A_29 = math.exp %sub3A_28 : vector<1x8xf32>
    %add3A = arith.addf %exp3A, %exp3A_29 : vector<1x8xf32>
    %log3A = math.log %add3A : vector<1x8xf32>
    %add3A_30 = arith.addf %max3A, %log3A : vector<1x8xf32>
    %sub3A_31 = arith.subf %broadcast_in_dim3A_22, %add3A_30 : vector<1x8xf32>
    %broadcast_in_dim3A_32 = vector.broadcast %reduce_sum3A_7 : f32 to vector<1x8xf32>
    %add3A_33 = arith.addf %sub3A_31, %broadcast_in_dim3A_32 : vector<1x8xf32>
    %get3A_34 = arith.constant 0 : index
    %get3A_35 = arith.constant 0 : index
    %get3A_36 = vector.load %arg1[%get3A_34, %get3A_35] : memref<1x8xf32, #tpu.memory_space<vmem>>, vector<1x1xf32>
    %get3A_37 = vector.extract %get3A_36[0, 0] : f32 from vector<1x1xf32>
    %broadcast_in_dim3A_38 = vector.broadcast %get3A_37 : f32 to vector<1x8xf32>
    %add3A_39 = arith.addf %add3A_33, %broadcast_in_dim3A_38 : vector<1x8xf32>
    %get3A_40 = arith.constant 0 : index
    %get3A_41 = arith.constant 1 : index
    %get3A_42 = vector.load %arg1[%get3A_40, %get3A_41] : memref<1x8xf32, #tpu.memory_space<vmem>>, vector<1x1xf32>
    %get3A_43 = vector.extract %get3A_42[0, 0] : f32 from vector<1x1xf32>
    %broadcast_in_dim3A_44 = vector.broadcast %get3A_43 : f32 to vector<1x8xf32>
    %mul3A = arith.constant 4.096000e+03 : f32
    %mul3A_45 = vector.broadcast %mul3A : f32 to vector<1x8xf32>
    %mul3A_46 = arith.mulf %mul3A_45, %broadcast_in_dim3A_44 : vector<1x8xf32>
    %sub3A_47 = arith.subf %add3A_39, %mul3A_46 : vector<1x8xf32>
    %sub3A_48 = arith.subf %broadcast_in_dim3A_27, %add3A_30 : vector<1x8xf32>
    %broadcast_in_dim3A_49 = vector.broadcast %reduce_sum3A_17 : f32 to vector<1x8xf32>
    %add3A_50 = arith.addf %sub3A_48, %broadcast_in_dim3A_49 : vector<1x8xf32>
    %get3A_51 = arith.constant 0 : index
    %get3A_52 = arith.constant 2 : index
    %get3A_53 = vector.load %arg1[%get3A_51, %get3A_52] : memref<1x8xf32, #tpu.memory_space<vmem>>, vector<1x1xf32>
    %get3A_54 = vector.extract %get3A_53[0, 0] : f32 from vector<1x1xf32>
    %broadcast_in_dim3A_55 = vector.broadcast %get3A_54 : f32 to vector<1x8xf32>
    %add3A_56 = arith.addf %add3A_50, %broadcast_in_dim3A_55 : vector<1x8xf32>
    %get3A_57 = arith.constant 0 : index
    %get3A_58 = arith.constant 3 : index
    %get3A_59 = vector.load %arg1[%get3A_57, %get3A_58] : memref<1x8xf32, #tpu.memory_space<vmem>>, vector<1x1xf32>
    %get3A_60 = vector.extract %get3A_59[0, 0] : f32 from vector<1x1xf32>
    %broadcast_in_dim3A_61 = vector.broadcast %get3A_60 : f32 to vector<1x8xf32>
    %mul3A_62 = arith.constant 4.096000e+03 : f32
    %mul3A_63 = vector.broadcast %mul3A_62 : f32 to vector<1x8xf32>
    %mul3A_64 = arith.mulf %mul3A_63, %broadcast_in_dim3A_61 : vector<1x8xf32>
    %sub3A_65 = arith.subf %add3A_56, %mul3A_64 : vector<1x8xf32>
    %max3A_66 = arith.maximumf %sub3A_47, %sub3A_65 : vector<1x8xf32>
    %sub3A_67 = arith.subf %sub3A_47, %max3A_66 : vector<1x8xf32>
    %exp3A_68 = math.exp %sub3A_67 : vector<1x8xf32>
    %sub3A_69 = arith.subf %sub3A_65, %max3A_66 : vector<1x8xf32>
    %exp3A_70 = math.exp %sub3A_69 : vector<1x8xf32>
    %add3A_71 = arith.addf %exp3A_68, %exp3A_70 : vector<1x8xf32>
    %log3A_72 = math.log %add3A_71 : vector<1x8xf32>
    %add3A_73 = arith.addf %max3A_66, %log3A_72 : vector<1x8xf32>
    %swap3A = arith.constant 0 : index
    %swap3A_74 = arith.constant 0 : index
    %swap3A_75 = vector.load %arg3[%swap3A, %swap3A_74] : memref<1x8xf32, #tpu.memory_space<vmem>>, vector<1x8xf32>
    tpu.vector_store %arg3[%swap3A, %swap3A_74], %add3A_73 {strides = array<i32>} : memref<1x8xf32, #tpu.memory_space<vmem>>, vector<1x8xf32>,
    return
  }
}

module attributes {stable_mosaic.version = 14 : i64} {
  func.func @_tc_argmax_body(%arg0: i32, %arg1: memref<1x1000x1024xf32, #tpu.memory_space<vmem>>, %arg2: memref<1x1000x1024xf32, #tpu.memory_space<vmem>>, %arg3: memref<1x1024xi32, #tpu.memory_space<vmem>>, %arg4: memref<1x1024xi32, #tpu.memory_space<vmem>>) attributes {dimension_semantics = [#tpu.dimension_semantics<arbitrary>], iteration_bounds = array<i64: 4>, scalar_prefetch = 0 : i64, scratch_operands = 0 : i64, tpu.core_type = #tpu.core_type<tc>, window_params = [{transform_indices = @transform_0, window_bounds = array<i64: 1, 1000, 1024>}, {transform_indices = @transform_1, window_bounds = array<i64: 1, 1000, 1024>}, {transform_indices = @transform_2, window_bounds = array<i64: 1, 1024>}, {transform_indices = @transform_3, window_bounds = array<i64: 1, 1024>}]} {
    %get3A = arith.constant 0 : index
    %get3A_0 = arith.constant 0 : index
    %get3A_1 = arith.constant 0 : index
    %get3A_2 = vector.load %arg1[%get3A, %get3A_0, %get3A_1] : memref<1x1000x1024xf32, #tpu.memory_space<vmem>>, vector<1x1000x1024xf32>
    %get3A_3 = vector.shape_cast %get3A_2 : vector<1x1000x1024xf32> to vector<1000x1024xf32>
    %argmax3A = tpu.reduce_index %get3A_3 {axis = 0 : i32, kind = #tpu.reduction_kind<arg_max>} : vector<1000x1024xf32> -> vector<1024xi32>
    %reshape3A = vector.shape_cast %argmax3A : vector<1024xi32> to vector<1x1024xi32>
    %swap3A = arith.constant 0 : index
    %swap3A_4 = arith.constant 0 : index
    %swap3A_5 = vector.load %arg3[%swap3A, %swap3A_4] : memref<1x1024xi32, #tpu.memory_space<vmem>>, vector<1x1024xi32>
    tpu.vector_store %arg3[%swap3A, %swap3A_4], %reshape3A {strides = array<i32>} : memref<1x1024xi32, #tpu.memory_space<vmem>>, vector<1x1024xi32>,
    %get3A_6 = arith.constant 0 : index
    %get3A_7 = arith.constant 0 : index
    %get3A_8 = arith.constant 0 : index
    %get3A_9 = vector.load %arg2[%get3A_6, %get3A_7, %get3A_8] : memref<1x1000x1024xf32, #tpu.memory_space<vmem>>, vector<1x1000x1024xf32>
    %get3A_10 = vector.shape_cast %get3A_9 : vector<1x1000x1024xf32> to vector<1000x1024xf32>
    %argmax3A_11 = tpu.reduce_index %get3A_10 {axis = 0 : i32, kind = #tpu.reduction_kind<arg_max>} : vector<1000x1024xf32> -> vector<1024xi32>
    %reshape3A_12 = vector.shape_cast %argmax3A_11 : vector<1024xi32> to vector<1x1024xi32>
    %swap3A_13 = arith.constant 0 : index
    %swap3A_14 = arith.constant 0 : index
    %swap3A_15 = vector.load %arg4[%swap3A_13, %swap3A_14] : memref<1x1024xi32, #tpu.memory_space<vmem>>, vector<1x1024xi32>
    tpu.vector_store %arg4[%swap3A_13, %swap3A_14], %reshape3A_12 {strides = array<i32>} : memref<1x1024xi32, #tpu.memory_space<vmem>>, vector<1x1024xi32>,
    return
  }
  func.func @transform_0(%arg0: i32) -> (i32, i32, i32) {
    %c0_i32 = arith.constant 0 : i32
    %c0_i32_0 = arith.constant 0 : i32
    %c0_i32_1 = arith.constant 0 : i32
    return %c0_i32, %c0_i32_0, %arg0 : i32, i32, i32
  }
  func.func @transform_1(%arg0: i32) -> (i32, i32, i32) {
    %c1_i32 = arith.constant 1 : i32
    %c0_i32 = arith.constant 0 : i32
    %c0_i32_0 = arith.constant 0 : i32
    return %c1_i32, %c0_i32, %arg0 : i32, i32, i32
  }
  func.func @transform_2(%arg0: i32) -> (i32, i32) {
    %c0_i32 = arith.constant 0 : i32
    %c0_i32_0 = arith.constant 0 : i32
    return %c0_i32, %arg0 : i32, i32
  }
  func.func @transform_3(%arg0: i32) -> (i32, i32) {
    %c0_i32 = arith.constant 0 : i32
    %c0_i32_0 = arith.constant 0 : i32
    return %c0_i32, %arg0 : i32, i32
  }
}

module attributes {stable_mosaic.version = 14 : i64} {
  func.func @_tc_stats_body(%arg0: i32, %arg1: memref<128x1000xf32, #tpu.memory_space<vmem>>, %arg2: memref<128x1000xf32, #tpu.memory_space<vmem>>, %arg3: memref<1x1000xf32, #tpu.memory_space<vmem>>, %arg4: memref<1x1000xf32, #tpu.memory_space<vmem>>, %arg5: memref<1x512xi32, #tpu.memory_space<vmem>>, %arg6: memref<1x512xi32, #tpu.memory_space<vmem>>, %arg7: memref<1x8xf32, #tpu.memory_space<vmem>>, %arg8: memref<1x1000xf32, #tpu.memory_space<vmem>>, %arg9: memref<1x1000xf32, #tpu.memory_space<vmem>>, %arg10: memref<1x1000xf32, #tpu.memory_space<vmem>>, %arg11: memref<1x1000xf32, #tpu.memory_space<vmem>>, %arg12: memref<1x1000xf32, #tpu.memory_space<vmem>>, %arg13: memref<1x1000xf32, #tpu.memory_space<vmem>>) attributes {dimension_semantics = [#tpu.dimension_semantics<arbitrary>], iteration_bounds = array<i64: 8>, scalar_prefetch = 0 : i64, scratch_operands = 6 : i64, tpu.core_type = #tpu.core_type<tc>, window_params = [{transform_indices = @transform_0, window_bounds = array<i64: 128, 1000>}, {transform_indices = @transform_1, window_bounds = array<i64: 128, 1000>}, {pipeline_mode = #tpu.pipeline_mode<synchronous>, transform_indices = @transform_2, window_bounds = array<i64: 1, 1000>}, {pipeline_mode = #tpu.pipeline_mode<synchronous>, transform_indices = @transform_3, window_bounds = array<i64: 1, 1000>}, {transform_indices = @transform_4, window_bounds = array<i64: 1, 512>}, {transform_indices = @transform_5, window_bounds = array<i64: 1, 512>}, {pipeline_mode = #tpu.pipeline_mode<synchronous>, transform_indices = @transform_6, window_bounds = array<i64: 1, 8>}]} {
    %eq3A = arith.constant 0 : i32
    %eq3A_0 = arith.cmpi eq, %arg0, %eq3A : i32
    %convert_element_type3A = arith.extui %eq3A_0 : i1 to i32
    %cond3A = arith.constant 0 : i32
    %cond3A_1 = arith.cmpi ne, %convert_element_type3A, %cond3A : i32
    scf.if %cond3A_1 {
      %broadcast_in_dim3A_171 = arith.constant -3.000000e+38 : f32
      %broadcast_in_dim3A_172 = vector.broadcast %broadcast_in_dim3A_171 : f32 to vector<1x1000xf32>
      %swap3A_173 = arith.constant 0 : index
      %swap3A_174 = arith.constant 0 : index
      %swap3A_175 = vector.load %arg8[%swap3A_173, %swap3A_174] : memref<1x1000xf32, #tpu.memory_space<vmem>>, vector<1x1000xf32>
      tpu.vector_store %arg8[%swap3A_173, %swap3A_174], %broadcast_in_dim3A_172 {strides = array<i32>} : memref<1x1000xf32, #tpu.memory_space<vmem>>, vector<1x1000xf32>,
      %broadcast_in_dim3A_176 = arith.constant 0.000000e+00 : f32
      %broadcast_in_dim3A_177 = vector.broadcast %broadcast_in_dim3A_176 : f32 to vector<1x1000xf32>
      %swap3A_178 = arith.constant 0 : index
      %swap3A_179 = arith.constant 0 : index
      %swap3A_180 = vector.load %arg9[%swap3A_178, %swap3A_179] : memref<1x1000xf32, #tpu.memory_space<vmem>>, vector<1x1000xf32>
      tpu.vector_store %arg9[%swap3A_178, %swap3A_179], %broadcast_in_dim3A_177 {strides = array<i32>} : memref<1x1000xf32, #tpu.memory_space<vmem>>, vector<1x1000xf32>,
      %broadcast_in_dim3A_181 = arith.constant -3.000000e+38 : f32
      %broadcast_in_dim3A_182 = vector.broadcast %broadcast_in_dim3A_181 : f32 to vector<1x1000xf32>
      %swap3A_183 = arith.constant 0 : index
      %swap3A_184 = arith.constant 0 : index
      %swap3A_185 = vector.load %arg10[%swap3A_183, %swap3A_184] : memref<1x1000xf32, #tpu.memory_space<vmem>>, vector<1x1000xf32>
      tpu.vector_store %arg10[%swap3A_183, %swap3A_184], %broadcast_in_dim3A_182 {strides = array<i32>} : memref<1x1000xf32, #tpu.memory_space<vmem>>, vector<1x1000xf32>,
      %broadcast_in_dim3A_186 = arith.constant 0.000000e+00 : f32
      %broadcast_in_dim3A_187 = vector.broadcast %broadcast_in_dim3A_186 : f32 to vector<1x1000xf32>
      %swap3A_188 = arith.constant 0 : index
      %swap3A_189 = arith.constant 0 : index
      %swap3A_190 = vector.load %arg11[%swap3A_188, %swap3A_189] : memref<1x1000xf32, #tpu.memory_space<vmem>>, vector<1x1000xf32>
      tpu.vector_store %arg11[%swap3A_188, %swap3A_189], %broadcast_in_dim3A_187 {strides = array<i32>} : memref<1x1000xf32, #tpu.memory_space<vmem>>, vector<1x1000xf32>,
      %broadcast_in_dim3A_191 = arith.constant 0.000000e+00 : f32
      %broadcast_in_dim3A_192 = vector.broadcast %broadcast_in_dim3A_191 : f32 to vector<1x1000xf32>
      %swap3A_193 = arith.constant 0 : index
      %swap3A_194 = arith.constant 0 : index
      %swap3A_195 = vector.load %arg12[%swap3A_193, %swap3A_194] : memref<1x1000xf32, #tpu.memory_space<vmem>>, vector<1x1000xf32>
      tpu.vector_store %arg12[%swap3A_193, %swap3A_194], %broadcast_in_dim3A_192 {strides = array<i32>} : memref<1x1000xf32, #tpu.memory_space<vmem>>, vector<1x1000xf32>,
      %broadcast_in_dim3A_196 = arith.constant 0.000000e+00 : f32
      %broadcast_in_dim3A_197 = vector.broadcast %broadcast_in_dim3A_196 : f32 to vector<1x1000xf32>
      %swap3A_198 = arith.constant 0 : index
      %swap3A_199 = arith.constant 0 : index
      %swap3A_200 = vector.load %arg13[%swap3A_198, %swap3A_199] : memref<1x1000xf32, #tpu.memory_space<vmem>>, vector<1x1000xf32>
      tpu.vector_store %arg13[%swap3A_198, %swap3A_199], %broadcast_in_dim3A_197 {strides = array<i32>} : memref<1x1000xf32, #tpu.memory_space<vmem>>, vector<1x1000xf32>,
    } else {
    }
    %iota3A = tpu.iota {dimensions = array<i32: 1>} : vector<1x1000xi32>
    %get3A = arith.constant 0 : index
    %get3A_2 = arith.constant 0 : index
    %get3A_3 = vector.load %arg5[%get3A, %get3A_2] : memref<1x512xi32, #tpu.memory_space<vmem>>, vector<1x512xi32>
    %get3A_4 = vector.shape_cast %get3A_3 : vector<1x512xi32> to vector<512xi32>
    %reshape3A = vector.shape_cast %get3A_4 : vector<512xi32> to vector<512x1xi32>
    %get3A_5 = arith.constant 0 : index
    %get3A_6 = arith.constant 0 : index
    %get3A_7 = vector.load %arg12[%get3A_5, %get3A_6] : memref<1x1000xf32, #tpu.memory_space<vmem>>, vector<1x1000xf32>
    %slice3A = vector.extract_strided_slice %reshape3A {offsets = [0, 0], sizes = [128, 1], strides = [1, 1]} : vector<512x1xi32> to vector<128x1xi32>
    %eq3A_8 = vector.broadcast %slice3A : vector<128x1xi32> to vector<128x1000xi32>
    %eq3A_9 = vector.broadcast %iota3A : vector<1x1000xi32> to vector<128x1000xi32>
    %eq3A_10 = arith.cmpi eq, %eq3A_8, %eq3A_9 : vector<128x1000xi32>
    %convert_element_type3A_11 = arith.extui %eq3A_10 : vector<128x1000xi1> to vector<128x1000xi32>
    %convert_element_type3A_12 = arith.sitofp %convert_element_type3A_11 : vector<128x1000xi32> to vector<128x1000xf32>
    %reduce_sum3A = arith.constant dense<0.000000e+00> : vector<1000xf32>
    %reduce_sum3A_13 = vector.multi_reduction <add>, %convert_element_type3A_12, %reduce_sum3A [0] : vector<128x1000xf32> to vector<1000xf32>
    %broadcast_in_dim3A = vector.shape_cast %reduce_sum3A_13 : vector<1000xf32> to vector<1x1000xf32>
    %add3A = arith.addf %get3A_7, %broadcast_in_dim3A : vector<1x1000xf32>
    %slice3A_14 = vector.extract_strided_slice %reshape3A {offsets = [128, 0], sizes = [128, 1], strides = [1, 1]} : vector<512x1xi32> to vector<128x1xi32>
    %eq3A_15 = vector.broadcast %slice3A_14 : vector<128x1xi32> to vector<128x1000xi32>
    %eq3A_16 = vector.broadcast %iota3A : vector<1x1000xi32> to vector<128x1000xi32>
    %eq3A_17 = arith.cmpi eq, %eq3A_15, %eq3A_16 : vector<128x1000xi32>
    %convert_element_type3A_18 = arith.extui %eq3A_17 : vector<128x1000xi1> to vector<128x1000xi32>
    %convert_element_type3A_19 = arith.sitofp %convert_element_type3A_18 : vector<128x1000xi32> to vector<128x1000xf32>
    %reduce_sum3A_20 = arith.constant dense<0.000000e+00> : vector<1000xf32>
    %reduce_sum3A_21 = vector.multi_reduction <add>, %convert_element_type3A_19, %reduce_sum3A_20 [0] : vector<128x1000xf32> to vector<1000xf32>
    %broadcast_in_dim3A_22 = vector.shape_cast %reduce_sum3A_21 : vector<1000xf32> to vector<1x1000xf32>
    %add3A_23 = arith.addf %add3A, %broadcast_in_dim3A_22 : vector<1x1000xf32>
    %slice3A_24 = vector.extract_strided_slice %reshape3A {offsets = [256, 0], sizes = [128, 1], strides = [1, 1]} : vector<512x1xi32> to vector<128x1xi32>
    %eq3A_25 = vector.broadcast %slice3A_24 : vector<128x1xi32> to vector<128x1000xi32>
    %eq3A_26 = vector.broadcast %iota3A : vector<1x1000xi32> to vector<128x1000xi32>
    %eq3A_27 = arith.cmpi eq, %eq3A_25, %eq3A_26 : vector<128x1000xi32>
    %convert_element_type3A_28 = arith.extui %eq3A_27 : vector<128x1000xi1> to vector<128x1000xi32>
    %convert_element_type3A_29 = arith.sitofp %convert_element_type3A_28 : vector<128x1000xi32> to vector<128x1000xf32>
    %reduce_sum3A_30 = arith.constant dense<0.000000e+00> : vector<1000xf32>
    %reduce_sum3A_31 = vector.multi_reduction <add>, %convert_element_type3A_29, %reduce_sum3A_30 [0] : vector<128x1000xf32> to vector<1000xf32>
    %broadcast_in_dim3A_32 = vector.shape_cast %reduce_sum3A_31 : vector<1000xf32> to vector<1x1000xf32>
    %add3A_33 = arith.addf %add3A_23, %broadcast_in_dim3A_32 : vector<1x1000xf32>
    %slice3A_34 = vector.extract_strided_slice %reshape3A {offsets = [384, 0], sizes = [128, 1], strides = [1, 1]} : vector<512x1xi32> to vector<128x1xi32>
    %eq3A_35 = vector.broadcast %slice3A_34 : vector<128x1xi32> to vector<128x1000xi32>
    %eq3A_36 = vector.broadcast %iota3A : vector<1x1000xi32> to vector<128x1000xi32>
    %eq3A_37 = arith.cmpi eq, %eq3A_35, %eq3A_36 : vector<128x1000xi32>
    %convert_element_type3A_38 = arith.extui %eq3A_37 : vector<128x1000xi1> to vector<128x1000xi32>
    %convert_element_type3A_39 = arith.sitofp %convert_element_type3A_38 : vector<128x1000xi32> to vector<128x1000xf32>
    %reduce_sum3A_40 = arith.constant dense<0.000000e+00> : vector<1000xf32>
    %reduce_sum3A_41 = vector.multi_reduction <add>, %convert_element_type3A_39, %reduce_sum3A_40 [0] : vector<128x1000xf32> to vector<1000xf32>
    %broadcast_in_dim3A_42 = vector.shape_cast %reduce_sum3A_41 : vector<1000xf32> to vector<1x1000xf32>
    %add3A_43 = arith.addf %add3A_33, %broadcast_in_dim3A_42 : vector<1x1000xf32>
    %swap3A = arith.constant 0 : index
    %swap3A_44 = arith.constant 0 : index
    %swap3A_45 = vector.load %arg12[%swap3A, %swap3A_44] : memref<1x1000xf32, #tpu.memory_space<vmem>>, vector<1x1000xf32>
    tpu.vector_store %arg12[%swap3A, %swap3A_44], %add3A_43 {strides = array<i32>} : memref<1x1000xf32, #tpu.memory_space<vmem>>, vector<1x1000xf32>,
    %get3A_46 = arith.constant 0 : index
    %get3A_47 = arith.constant 0 : index
    %get3A_48 = vector.load %arg6[%get3A_46, %get3A_47] : memref<1x512xi32, #tpu.memory_space<vmem>>, vector<1x512xi32>
    %get3A_49 = vector.shape_cast %get3A_48 : vector<1x512xi32> to vector<512xi32>
    %reshape3A_50 = vector.shape_cast %get3A_49 : vector<512xi32> to vector<512x1xi32>
    %get3A_51 = arith.constant 0 : index
    %get3A_52 = arith.constant 0 : index
    %get3A_53 = vector.load %arg13[%get3A_51, %get3A_52] : memref<1x1000xf32, #tpu.memory_space<vmem>>, vector<1x1000xf32>
    %slice3A_54 = vector.extract_strided_slice %reshape3A_50 {offsets = [0, 0], sizes = [128, 1], strides = [1, 1]} : vector<512x1xi32> to vector<128x1xi32>
    %eq3A_55 = vector.broadcast %slice3A_54 : vector<128x1xi32> to vector<128x1000xi32>
    %eq3A_56 = vector.broadcast %iota3A : vector<1x1000xi32> to vector<128x1000xi32>
    %eq3A_57 = arith.cmpi eq, %eq3A_55, %eq3A_56 : vector<128x1000xi32>
    %convert_element_type3A_58 = arith.extui %eq3A_57 : vector<128x1000xi1> to vector<128x1000xi32>
    %convert_element_type3A_59 = arith.sitofp %convert_element_type3A_58 : vector<128x1000xi32> to vector<128x1000xf32>
    %reduce_sum3A_60 = arith.constant dense<0.000000e+00> : vector<1000xf32>
    %reduce_sum3A_61 = vector.multi_reduction <add>, %convert_element_type3A_59, %reduce_sum3A_60 [0] : vector<128x1000xf32> to vector<1000xf32>
    %broadcast_in_dim3A_62 = vector.shape_cast %reduce_sum3A_61 : vector<1000xf32> to vector<1x1000xf32>
    %add3A_63 = arith.addf %get3A_53, %broadcast_in_dim3A_62 : vector<1x1000xf32>
    %slice3A_64 = vector.extract_strided_slice %reshape3A_50 {offsets = [128, 0], sizes = [128, 1], strides = [1, 1]} : vector<512x1xi32> to vector<128x1xi32>
    %eq3A_65 = vector.broadcast %slice3A_64 : vector<128x1xi32> to vector<128x1000xi32>
    %eq3A_66 = vector.broadcast %iota3A : vector<1x1000xi32> to vector<128x1000xi32>
    %eq3A_67 = arith.cmpi eq, %eq3A_65, %eq3A_66 : vector<128x1000xi32>
    %convert_element_type3A_68 = arith.extui %eq3A_67 : vector<128x1000xi1> to vector<128x1000xi32>
    %convert_element_type3A_69 = arith.sitofp %convert_element_type3A_68 : vector<128x1000xi32> to vector<128x1000xf32>
    %reduce_sum3A_70 = arith.constant dense<0.000000e+00> : vector<1000xf32>
    %reduce_sum3A_71 = vector.multi_reduction <add>, %convert_element_type3A_69, %reduce_sum3A_70 [0] : vector<128x1000xf32> to vector<1000xf32>
    %broadcast_in_dim3A_72 = vector.shape_cast %reduce_sum3A_71 : vector<1000xf32> to vector<1x1000xf32>
    %add3A_73 = arith.addf %add3A_63, %broadcast_in_dim3A_72 : vector<1x1000xf32>
    %slice3A_74 = vector.extract_strided_slice %reshape3A_50 {offsets = [256, 0], sizes = [128, 1], strides = [1, 1]} : vector<512x1xi32> to vector<128x1xi32>
    %eq3A_75 = vector.broadcast %slice3A_74 : vector<128x1xi32> to vector<128x1000xi32>
    %eq3A_76 = vector.broadcast %iota3A : vector<1x1000xi32> to vector<128x1000xi32>
    %eq3A_77 = arith.cmpi eq, %eq3A_75, %eq3A_76 : vector<128x1000xi32>
    %convert_element_type3A_78 = arith.extui %eq3A_77 : vector<128x1000xi1> to vector<128x1000xi32>
    %convert_element_type3A_79 = arith.sitofp %convert_element_type3A_78 : vector<128x1000xi32> to vector<128x1000xf32>
    %reduce_sum3A_80 = arith.constant dense<0.000000e+00> : vector<1000xf32>
    %reduce_sum3A_81 = vector.multi_reduction <add>, %convert_element_type3A_79, %reduce_sum3A_80 [0] : vector<128x1000xf32> to vector<1000xf32>
    %broadcast_in_dim3A_82 = vector.shape_cast %reduce_sum3A_81 : vector<1000xf32> to vector<1x1000xf32>
    %add3A_83 = arith.addf %add3A_73, %broadcast_in_dim3A_82 : vector<1x1000xf32>
    %slice3A_84 = vector.extract_strided_slice %reshape3A_50 {offsets = [384, 0], sizes = [128, 1], strides = [1, 1]} : vector<512x1xi32> to vector<128x1xi32>
    %eq3A_85 = vector.broadcast %slice3A_84 : vector<128x1xi32> to vector<128x1000xi32>
    %eq3A_86 = vector.broadcast %iota3A : vector<1x1000xi32> to vector<128x1000xi32>
    %eq3A_87 = arith.cmpi eq, %eq3A_85, %eq3A_86 : vector<128x1000xi32>
    %convert_element_type3A_88 = arith.extui %eq3A_87 : vector<128x1000xi1> to vector<128x1000xi32>
    %convert_element_type3A_89 = arith.sitofp %convert_element_type3A_88 : vector<128x1000xi32> to vector<128x1000xf32>
    %reduce_sum3A_90 = arith.constant dense<0.000000e+00> : vector<1000xf32>
    %reduce_sum3A_91 = vector.multi_reduction <add>, %convert_element_type3A_89, %reduce_sum3A_90 [0] : vector<128x1000xf32> to vector<1000xf32>
    %broadcast_in_dim3A_92 = vector.shape_cast %reduce_sum3A_91 : vector<1000xf32> to vector<1x1000xf32>
    %add3A_93 = arith.addf %add3A_83, %broadcast_in_dim3A_92 : vector<1x1000xf32>
    %swap3A_94 = arith.constant 0 : index
    %swap3A_95 = arith.constant 0 : index
    %swap3A_96 = vector.load %arg13[%swap3A_94, %swap3A_95] : memref<1x1000xf32, #tpu.memory_space<vmem>>, vector<1x1000xf32>
    tpu.vector_store %arg13[%swap3A_94, %swap3A_95], %add3A_93 {strides = array<i32>} : memref<1x1000xf32, #tpu.memory_space<vmem>>, vector<1x1000xf32>,
    %mul3A = arith.constant 128 : i32
    %mul3A_97 = arith.muli %arg0, %mul3A : i32
    %iota3A_98 = tpu.iota {dimensions = array<i32: 0>} : vector<128x1000xi32>
    %sub3A = arith.constant 1000 : i32
    %sub3A_99 = arith.subi %sub3A, %mul3A_97 : i32
    %lt3A = vector.broadcast %sub3A_99 : i32 to vector<128x1000xi32>
    %lt3A_100 = arith.cmpi slt, %iota3A_98, %lt3A : vector<128x1000xi32>
    %get3A_101 = arith.constant 0 : index
    %get3A_102 = arith.constant 0 : index
    %get3A_103 = vector.load %arg1[%get3A_101, %get3A_102] : memref<128x1000xf32, #tpu.memory_space<vmem>>, vector<128x1000xf32>
    %jit3A = arith.constant -3.000000e+38 : f32
    %broadcast_in_dim3A_104 = vector.broadcast %jit3A : f32 to vector<128x1000xf32>
    %select_n3A = arith.select %lt3A_100, %get3A_103, %broadcast_in_dim3A_104 : vector<128x1000xi1>, vector<128x1000xf32>
    %reduce_max3A = arith.constant dense<0xFF800000> : vector<1000xf32>
    %reduce_max3A_105 = vector.multi_reduction <maximumf>, %select_n3A, %reduce_max3A [0] : vector<128x1000xf32> to vector<1000xf32>
    %broadcast_in_dim3A_106 = vector.shape_cast %reduce_max3A_105 : vector<1000xf32> to vector<1x1000xf32>
    %get3A_107 = arith.constant 0 : index
    %get3A_108 = arith.constant 0 : index
    %get3A_109 = vector.load %arg8[%get3A_107, %get3A_108] : memref<1x1000xf32, #tpu.memory_space<vmem>>, vector<1x1000xf32>
    %max3A = arith.maximumf %get3A_109, %broadcast_in_dim3A_106 : vector<1x1000xf32>
    %sub3A_110 = vector.broadcast %max3A : vector<1x1000xf32> to vector<128x1000xf32>
    %sub3A_111 = arith.subf %select_n3A, %sub3A_110 : vector<128x1000xf32>
    %exp3A = math.exp %sub3A_111 : vector<128x1000xf32>
    %reduce_sum3A_112 = arith.constant dense<0.000000e+00> : vector<1000xf32>
    %reduce_sum3A_113 = vector.multi_reduction <add>, %exp3A, %reduce_sum3A_112 [0] : vector<128x1000xf32> to vector<1000xf32>
    %broadcast_in_dim3A_114 = vector.shape_cast %reduce_sum3A_113 : vector<1000xf32> to vector<1x1000xf32>
    %get3A_115 = arith.constant 0 : index
    %get3A_116 = arith.constant 0 : index
    %get3A_117 = vector.load %arg9[%get3A_115, %get3A_116] : memref<1x1000xf32, #tpu.memory_space<vmem>>, vector<1x1000xf32>
    %get3A_118 = arith.constant 0 : index
    %get3A_119 = arith.constant 0 : index
    %get3A_120 = vector.load %arg8[%get3A_118, %get3A_119] : memref<1x1000xf32, #tpu.memory_space<vmem>>, vector<1x1000xf32>
    %sub3A_121 = arith.subf %get3A_120, %max3A : vector<1x1000xf32>
    %exp3A_122 = math.exp %sub3A_121 : vector<1x1000xf32>
    %mul3A_123 = arith.mulf %get3A_117, %exp3A_122 : vector<1x1000xf32>
    %add3A_124 = arith.addf %mul3A_123, %broadcast_in_dim3A_114 : vector<1x1000xf32>
    %swap3A_125 = arith.constant 0 : index
    %swap3A_126 = arith.constant 0 : index
    %swap3A_127 = vector.load %arg9[%swap3A_125, %swap3A_126] : memref<1x1000xf32, #tpu.memory_space<vmem>>, vector<1x1000xf32>
    tpu.vector_store %arg9[%swap3A_125, %swap3A_126], %add3A_124 {strides = array<i32>} : memref<1x1000xf32, #tpu.memory_space<vmem>>, vector<1x1000xf32>,
    %swap3A_128 = arith.constant 0 : index
    %swap3A_129 = arith.constant 0 : index
    %swap3A_130 = vector.load %arg8[%swap3A_128, %swap3A_129] : memref<1x1000xf32, #tpu.memory_space<vmem>>, vector<1x1000xf32>
    tpu.vector_store %arg8[%swap3A_128, %swap3A_129], %max3A {strides = array<i32>} : memref<1x1000xf32, #tpu.memory_space<vmem>>, vector<1x1000xf32>,
    %get3A_131 = arith.constant 0 : index
    %get3A_132 = arith.constant 0 : index
    %get3A_133 = vector.load %arg2[%get3A_131, %get3A_132] : memref<128x1000xf32, #tpu.memory_space<vmem>>, vector<128x1000xf32>
    %jit3A_134 = arith.constant -3.000000e+38 : f32
    %broadcast_in_dim3A_135 = vector.broadcast %jit3A_134 : f32 to vector<128x1000xf32>
    %select_n3A_136 = arith.select %lt3A_100, %get3A_133, %broadcast_in_dim3A_135 : vector<128x1000xi1>, vector<128x1000xf32>
    %reduce_max3A_137 = arith.constant dense<0xFF800000> : vector<1000xf32>
    %reduce_max3A_138 = vector.multi_reduction <maximumf>, %select_n3A_136, %reduce_max3A_137 [0] : vector<128x1000xf32> to vector<1000xf32>
    %broadcast_in_dim3A_139 = vector.shape_cast %reduce_max3A_138 : vector<1000xf32> to vector<1x1000xf32>
    %get3A_140 = arith.constant 0 : index
    %get3A_141 = arith.constant 0 : index
    %get3A_142 = vector.load %arg10[%get3A_140, %get3A_141] : memref<1x1000xf32, #tpu.memory_space<vmem>>, vector<1x1000xf32>
    %max3A_143 = arith.maximumf %get3A_142, %broadcast_in_dim3A_139 : vector<1x1000xf32>
    %sub3A_144 = vector.broadcast %max3A_143 : vector<1x1000xf32> to vector<128x1000xf32>
    %sub3A_145 = arith.subf %select_n3A_136, %sub3A_144 : vector<128x1000xf32>
    %exp3A_146 = math.exp %sub3A_145 : vector<128x1000xf32>
    %reduce_sum3A_147 = arith.constant dense<0.000000e+00> : vector<1000xf32>
    %reduce_sum3A_148 = vector.multi_reduction <add>, %exp3A_146, %reduce_sum3A_147 [0] : vector<128x1000xf32> to vector<1000xf32>
    %broadcast_in_dim3A_149 = vector.shape_cast %reduce_sum3A_148 : vector<1000xf32> to vector<1x1000xf32>
    %get3A_150 = arith.constant 0 : index
    %get3A_151 = arith.constant 0 : index
    %get3A_152 = vector.load %arg11[%get3A_150, %get3A_151] : memref<1x1000xf32, #tpu.memory_space<vmem>>, vector<1x1000xf32>
    %get3A_153 = arith.constant 0 : index
    %get3A_154 = arith.constant 0 : index
    %get3A_155 = vector.load %arg10[%get3A_153, %get3A_154] : memref<1x1000xf32, #tpu.memory_space<vmem>>, vector<1x1000xf32>
    %sub3A_156 = arith.subf %get3A_155, %max3A_143 : vector<1x1000xf32>
    %exp3A_157 = math.exp %sub3A_156 : vector<1x1000xf32>
    %mul3A_158 = arith.mulf %get3A_152, %exp3A_157 : vector<1x1000xf32>
    %add3A_159 = arith.addf %mul3A_158, %broadcast_in_dim3A_149 : vector<1x1000xf32>
    %swap3A_160 = arith.constant 0 : index
    %swap3A_161 = arith.constant 0 : index
    %swap3A_162 = vector.load %arg11[%swap3A_160, %swap3A_161] : memref<1x1000xf32, #tpu.memory_space<vmem>>, vector<1x1000xf32>
    tpu.vector_store %arg11[%swap3A_160, %swap3A_161], %add3A_159 {strides = array<i32>} : memref<1x1000xf32, #tpu.memory_space<vmem>>, vector<1x1000xf32>,
    %swap3A_163 = arith.constant 0 : index
    %swap3A_164 = arith.constant 0 : index
    %swap3A_165 = vector.load %arg10[%swap3A_163, %swap3A_164] : memref<1x1000xf32, #tpu.memory_space<vmem>>, vector<1x1000xf32>
    tpu.vector_store %arg10[%swap3A_163, %swap3A_164], %max3A_143 {strides = array<i32>} : memref<1x1000xf32, #tpu.memory_space<vmem>>, vector<1x1000xf32>,
    %eq3A_166 = arith.constant 7 : i32
    %eq3A_167 = arith.cmpi eq, %arg0, %eq3A_166 : i32
    %convert_element_type3A_168 = arith.extui %eq3A_167 : i1 to i32
    %cond3A_169 = arith.constant 0 : i32
    %cond3A_170 = arith.cmpi ne, %convert_element_type3A_168, %cond3A_169 : i32
    scf.if %cond3A_170 {
      %get3A_171 = arith.constant 0 : index
      %get3A_172 = arith.constant 0 : index
      %get3A_173 = vector.load %arg8[%get3A_171, %get3A_172] : memref<1x1000xf32, #tpu.memory_space<vmem>>, vector<1x1000xf32>
      %get3A_174 = arith.constant 0 : index
      %get3A_175 = arith.constant 0 : index
      %get3A_176 = vector.load %arg9[%get3A_174, %get3A_175] : memref<1x1000xf32, #tpu.memory_space<vmem>>, vector<1x1000xf32>
      %log3A = math.log %get3A_176 : vector<1x1000xf32>
      %add3A_177 = arith.addf %get3A_173, %log3A : vector<1x1000xf32>
      %get3A_178 = arith.constant 0 : index
      %get3A_179 = arith.constant 0 : index
      %get3A_180 = vector.load %arg3[%get3A_178, %get3A_179] : memref<1x1000xf32, #tpu.memory_space<vmem>>, vector<1x1000xf32>
      %sub3A_181 = arith.subf %get3A_180, %add3A_177 : vector<1x1000xf32>
      %get3A_182 = arith.constant 0 : index
      %get3A_183 = arith.constant 0 : index
      %get3A_184 = vector.load %arg12[%get3A_182, %get3A_183] : memref<1x1000xf32, #tpu.memory_space<vmem>>, vector<1x1000xf32>
      %mul3A_185 = arith.mulf %sub3A_181, %get3A_184 : vector<1x1000xf32>
      %reduce_sum3A_186 = vector.shape_cast %mul3A_185 : vector<1x1000xf32> to vector<1x1x1000xf32>
      %reduce_sum3A_187 = arith.constant dense<0.000000e+00> : vector<1xf32>
      %reduce_sum3A_188 = vector.multi_reduction <add>, %reduce_sum3A_186, %reduce_sum3A_187 [1, 2] : vector<1x1x1000xf32> to vector<1xf32>
      %reduce_sum3A_189 = vector.shape_cast %reduce_sum3A_188 : vector<1xf32> to vector<1x1x1xf32>
      %reduce_sum3A_190 = vector.extract %reduce_sum3A_189[0, 0, 0] : f32 from vector<1x1x1xf32>
      %get3A_191 = arith.constant 0 : index
      %get3A_192 = arith.constant 0 : index
      %get3A_193 = vector.load %arg3[%get3A_191, %get3A_192] : memref<1x1000xf32, #tpu.memory_space<vmem>>, vector<1x1000xf32>
      %reduce_max3A_194 = vector.shape_cast %get3A_193 : vector<1x1000xf32> to vector<1x1x1000xf32>
      %reduce_max3A_195 = arith.constant dense<0xFF800000> : vector<1xf32>
      %reduce_max3A_196 = vector.multi_reduction <maximumf>, %reduce_max3A_194, %reduce_max3A_195 [1, 2] : vector<1x1x1000xf32> to vector<1xf32>
      %reduce_max3A_197 = vector.shape_cast %reduce_max3A_196 : vector<1xf32> to vector<1x1x1xf32>
      %reduce_max3A_198 = vector.extract %reduce_max3A_197[0, 0, 0] : f32 from vector<1x1x1xf32>
      %sub3A_199 = vector.broadcast %reduce_max3A_198 : f32 to vector<1x1000xf32>
      %sub3A_200 = arith.subf %get3A_193, %sub3A_199 : vector<1x1000xf32>
      %exp3A_201 = math.exp %sub3A_200 : vector<1x1000xf32>
      %reduce_sum3A_202 = vector.shape_cast %exp3A_201 : vector<1x1000xf32> to vector<1x1x1000xf32>
      %reduce_sum3A_203 = arith.constant dense<0.000000e+00> : vector<1xf32>
      %reduce_sum3A_204 = vector.multi_reduction <add>, %reduce_sum3A_202, %reduce_sum3A_203 [1, 2] : vector<1x1x1000xf32> to vector<1xf32>
      %reduce_sum3A_205 = vector.shape_cast %reduce_sum3A_204 : vector<1xf32> to vector<1x1x1xf32>
      %reduce_sum3A_206 = vector.extract %reduce_sum3A_205[0, 0, 0] : f32 from vector<1x1x1xf32>
      %log3A_207 = math.log %reduce_sum3A_206 : f32
      %add3A_208 = arith.addf %reduce_max3A_198, %log3A_207 : f32
      %get3A_209 = arith.constant 0 : index
      %get3A_210 = arith.constant 0 : index
      %get3A_211 = vector.load %arg10[%get3A_209, %get3A_210] : memref<1x1000xf32, #tpu.memory_space<vmem>>, vector<1x1000xf32>
      %get3A_212 = arith.constant 0 : index
      %get3A_213 = arith.constant 0 : index
      %get3A_214 = vector.load %arg11[%get3A_212, %get3A_213] : memref<1x1000xf32, #tpu.memory_space<vmem>>, vector<1x1000xf32>
      %log3A_215 = math.log %get3A_214 : vector<1x1000xf32>
      %add3A_216 = arith.addf %get3A_211, %log3A_215 : vector<1x1000xf32>
      %get3A_217 = arith.constant 0 : index
      %get3A_218 = arith.constant 0 : index
      %get3A_219 = vector.load %arg4[%get3A_217, %get3A_218] : memref<1x1000xf32, #tpu.memory_space<vmem>>, vector<1x1000xf32>
      %sub3A_220 = arith.subf %get3A_219, %add3A_216 : vector<1x1000xf32>
      %get3A_221 = arith.constant 0 : index
      %get3A_222 = arith.constant 0 : index
      %get3A_223 = vector.load %arg13[%get3A_221, %get3A_222] : memref<1x1000xf32, #tpu.memory_space<vmem>>, vector<1x1000xf32>
      %mul3A_224 = arith.mulf %sub3A_220, %get3A_223 : vector<1x1000xf32>
      %reduce_sum3A_225 = vector.shape_cast %mul3A_224 : vector<1x1000xf32> to vector<1x1x1000xf32>
      %reduce_sum3A_226 = arith.constant dense<0.000000e+00> : vector<1xf32>
      %reduce_sum3A_227 = vector.multi_reduction <add>, %reduce_sum3A_225, %reduce_sum3A_226 [1, 2] : vector<1x1x1000xf32> to vector<1xf32>
      %reduce_sum3A_228 = vector.shape_cast %reduce_sum3A_227 : vector<1xf32> to vector<1x1x1xf32>
      %reduce_sum3A_229 = vector.extract %reduce_sum3A_228[0, 0, 0] : f32 from vector<1x1x1xf32>
      %get3A_230 = arith.constant 0 : index
      %get3A_231 = arith.constant 0 : index
      %get3A_232 = vector.load %arg4[%get3A_230, %get3A_231] : memref<1x1000xf32, #tpu.memory_space<vmem>>, vector<1x1000xf32>
      %reduce_max3A_233 = vector.shape_cast %get3A_232 : vector<1x1000xf32> to vector<1x1x1000xf32>
      %reduce_max3A_234 = arith.constant dense<0xFF800000> : vector<1xf32>
      %reduce_max3A_235 = vector.multi_reduction <maximumf>, %reduce_max3A_233, %reduce_max3A_234 [1, 2] : vector<1x1x1000xf32> to vector<1xf32>
      %reduce_max3A_236 = vector.shape_cast %reduce_max3A_235 : vector<1xf32> to vector<1x1x1xf32>
      %reduce_max3A_237 = vector.extract %reduce_max3A_236[0, 0, 0] : f32 from vector<1x1x1xf32>
      %sub3A_238 = vector.broadcast %reduce_max3A_237 : f32 to vector<1x1000xf32>
      %sub3A_239 = arith.subf %get3A_232, %sub3A_238 : vector<1x1000xf32>
      %exp3A_240 = math.exp %sub3A_239 : vector<1x1000xf32>
      %reduce_sum3A_241 = vector.shape_cast %exp3A_240 : vector<1x1000xf32> to vector<1x1x1000xf32>
      %reduce_sum3A_242 = arith.constant dense<0.000000e+00> : vector<1xf32>
      %reduce_sum3A_243 = vector.multi_reduction <add>, %reduce_sum3A_241, %reduce_sum3A_242 [1, 2] : vector<1x1x1000xf32> to vector<1xf32>
      %reduce_sum3A_244 = vector.shape_cast %reduce_sum3A_243 : vector<1xf32> to vector<1x1x1xf32>
      %reduce_sum3A_245 = vector.extract %reduce_sum3A_244[0, 0, 0] : f32 from vector<1x1x1xf32>
      %log3A_246 = math.log %reduce_sum3A_245 : f32
      %add3A_247 = arith.addf %reduce_max3A_237, %log3A_246 : f32
      %iota3A_248 = tpu.iota {dimensions = array<i32: 1>} : vector<1x8xi32>
      %eq3A_249 = arith.constant 0 : i32
      %eq3A_250 = vector.broadcast %eq3A_249 : i32 to vector<1x8xi32>
      %eq3A_251 = arith.cmpi eq, %iota3A_248, %eq3A_250 : vector<1x8xi32>
      %jit3A_252 = arith.constant 0.000000e+00 : f32
      %broadcast_in_dim3A_253 = vector.broadcast %reduce_sum3A_190 : f32 to vector<1x8xf32>
      %broadcast_in_dim3A_254 = vector.broadcast %jit3A_252 : f32 to vector<1x8xf32>
      %select_n3A_255 = arith.select %eq3A_251, %broadcast_in_dim3A_253, %broadcast_in_dim3A_254 : vector<1x8xi1>, vector<1x8xf32>
      %eq3A_256 = arith.constant 1 : i32
      %eq3A_257 = vector.broadcast %eq3A_256 : i32 to vector<1x8xi32>
      %eq3A_258 = arith.cmpi eq, %iota3A_248, %eq3A_257 : vector<1x8xi32>
      %jit3A_259 = arith.constant 0.000000e+00 : f32
      %broadcast_in_dim3A_260 = vector.broadcast %add3A_208 : f32 to vector<1x8xf32>
      %broadcast_in_dim3A_261 = vector.broadcast %jit3A_259 : f32 to vector<1x8xf32>
      %select_n3A_262 = arith.select %eq3A_258, %broadcast_in_dim3A_260, %broadcast_in_dim3A_261 : vector<1x8xi1>, vector<1x8xf32>
      %add3A_263 = arith.addf %select_n3A_255, %select_n3A_262 : vector<1x8xf32>
      %eq3A_264 = arith.constant 2 : i32
      %eq3A_265 = vector.broadcast %eq3A_264 : i32 to vector<1x8xi32>
      %eq3A_266 = arith.cmpi eq, %iota3A_248, %eq3A_265 : vector<1x8xi32>
      %jit3A_267 = arith.constant 0.000000e+00 : f32
      %broadcast_in_dim3A_268 = vector.broadcast %reduce_sum3A_229 : f32 to vector<1x8xf32>
      %broadcast_in_dim3A_269 = vector.broadcast %jit3A_267 : f32 to vector<1x8xf32>
      %select_n3A_270 = arith.select %eq3A_266, %broadcast_in_dim3A_268, %broadcast_in_dim3A_269 : vector<1x8xi1>, vector<1x8xf32>
      %add3A_271 = arith.addf %add3A_263, %select_n3A_270 : vector<1x8xf32>
      %eq3A_272 = arith.constant 3 : i32
      %eq3A_273 = vector.broadcast %eq3A_272 : i32 to vector<1x8xi32>
      %eq3A_274 = arith.cmpi eq, %iota3A_248, %eq3A_273 : vector<1x8xi32>
      %jit3A_275 = arith.constant 0.000000e+00 : f32
      %broadcast_in_dim3A_276 = vector.broadcast %add3A_247 : f32 to vector<1x8xf32>
      %broadcast_in_dim3A_277 = vector.broadcast %jit3A_275 : f32 to vector<1x8xf32>
      %select_n3A_278 = arith.select %eq3A_274, %broadcast_in_dim3A_276, %broadcast_in_dim3A_277 : vector<1x8xi1>, vector<1x8xf32>
      %add3A_279 = arith.addf %add3A_271, %select_n3A_278 : vector<1x8xf32>
      %swap3A_280 = arith.constant 0 : index
      %swap3A_281 = arith.constant 0 : index
      %swap3A_282 = vector.load %arg7[%swap3A_280, %swap3A_281] : memref<1x8xf32, #tpu.memory_space<vmem>>, vector<1x8xf32>
      tpu.vector_store %arg7[%swap3A_280, %swap3A_281], %add3A_279 {strides = array<i32>} : memref<1x8xf32, #tpu.memory_space<vmem>>, vector<1x8xf32>,
    } else {
    }
    return
  }
  func.func @transform_0(%arg0: i32) -> (i32, i32) {
    %c0_i32 = arith.constant 0 : i32
    %c0_i32_0 = arith.constant 0 : i32
    return %arg0, %c0_i32 : i32, i32
  }
  func.func @transform_1(%arg0: i32) -> (i32, i32) {
    %c0_i32 = arith.constant 0 : i32
    %c0_i32_0 = arith.constant 0 : i32
    return %arg0, %c0_i32 : i32, i32
  }
  func.func @transform_2(%arg0: i32) -> (i32, i32) {
    %c0_i32 = arith.constant 0 : i32
    %c0_i32_0 = arith.constant 0 : i32
    %c0_i32_1 = arith.constant 0 : i32
    return %c0_i32, %c0_i32_0 : i32, i32
  }
  func.func @transform_3(%arg0: i32) -> (i32, i32) {
    %c0_i32 = arith.constant 0 : i32
    %c0_i32_0 = arith.constant 0 : i32
    %c0_i32_1 = arith.constant 0 : i32
    return %c0_i32, %c0_i32_0 : i32, i32
  }
  func.func @transform_4(%arg0: i32) -> (i32, i32) {
    %c0_i32 = arith.constant 0 : i32
    %c0_i32_0 = arith.constant 0 : i32
    return %c0_i32, %arg0 : i32, i32
  }
  func.func @transform_5(%arg0: i32) -> (i32, i32) {
    %c0_i32 = arith.constant 0 : i32
    %c0_i32_0 = arith.constant 0 : i32
    return %c0_i32, %arg0 : i32, i32
  }
  func.func @transform_6(%arg0: i32) -> (i32, i32) {
    %c0_i32 = arith.constant 0 : i32
    %c0_i32_0 = arith.constant 0 : i32
    %c0_i32_1 = arith.constant 0 : i32
    return %c0_i32, %c0_i32_0 : i32, i32
  }
}

</mosaic_0001>

<sc_bundles>
// kernel: kernel.6.cloned.1.call-start
scs
__scs_entry_jumppad:
0x0: {  	(pc) =	sbr.rel $0x88, $3  }
0x1: {  	(tag) =	ssettag $0x0;
	lr =	simm.s32 $0x1  }
0x2: {  	[smem:$0x3F9B] =	sst lr;
	_ =	strace $0xD0000000  }
0x3: {  	_ = 	snop  }
0x4: {  	_ = 	snop  }
0x5: {  	_ = 	snop  }
0x6: {  	_ = 	snop  }
0x7: {  	_ = 	snop  }
__scs_overlays_trampoline_lowered:
0x8: {  	[smem:$0x3FAA] =	sst s0  }
0x9: {  	[smem:$0x3FAB] =	sst s1  }
0xa: {  	[smem:$0x3FAC] =	sst s2  }
0xb: {  	[smem:$0x3FAD] =	sst s3  }
0xc: {  	[smem:$0x3FAE] =	sst s4  }
0xd: {  	[smem:$0x3FAF] =	sst s5  }
0xe: {  	[smem:$0x3FB0] =	sst s6  }
0xf: {  	[smem:$0x3FB1] =	sst s7  }
0x10: {  	[smem:$0x3FB2] =	sst s8  }
0x11: {  	[smem:$0x3FB3] =	sst s9;
	s0 =	simm.s32 @!p0 $0x0  }
0x12: {  	s1 =	sld [smem:$0x3F99];
	s0 =	simm.s32 @p0 $0x1  }
0x13: {  	[smem:$0x3FB4] =	sst s0;
	s0 =	simm.s32 @!p1 $0x0  }
0x14: {  	s2 =	sld [smem:$0x3F98];
	s0 =	simm.s32 @p1 $0x1  }
0x15: {  	[smem:$0x3FB5] =	sst s0;
	s0 =	simm.s32 @!p2 $0x0  }
0x16: {  	s3 =	sld [smem:$0x3FDB];
	s0 =	simm.s32 @p2 $0x1  }
0x17: {  	s4 =	simm.s32 $0x1BF5;
	[smem:$0x3FB7] =	sst s0  }
0x18: {  	s0 =	sld [smem:$0x3F9A];
	_ =	swait.ge [sflag:s4], $0x0  }
0x19: {  	s7 =	sld [smem:$0x3F9B]  }
0x1a: {  	s8 =	sadd.s32 $0xFFFFE003, lr  }
0x1b: {  	s9 =	sadd.s32 $0xFFFFFEF7, lr;
	s5 =	simm.s32 $0xFFFFFFFF;
	p2 =	slt.u32 s8, $0xFFFFF086  }
0x1c: {  	p1 =	slt.u32 s9, $0xF7A;
	s5 =	simm.s32 @!p2 $0x0  }
0x1d: {  	s5 =	simm.s32 @p1 $0x1;
	p0 =	seq.s32 s7, s2  }
0x1e: {  	s7 =	smul.u32 @!p0 $0xF7A, s2;
	p2 =	seq.s32 @!p0 s5, $0x0  }
0x1f: {  	s9 =	smul.u32 $0xF7A, s1;
	s8 =	simm.s32 @!p0 $0x1BF5;
	p2 =	por !p2, p0  }
0x20: {  	[sflag:s8] =	ssyncset.s32 @!p0 $0xFFFFF086;
	s6 =	sadd.s32 @!p0 s3, s7;
	s7 =	simm.s32 @!p0 $0x108  }
0x21: {  	s3 =	sadd.s32 s3, s9;
	s6 =	sadd.s32 @!p0 $0x88, s6;
	s7 =	simm.s32 @p2 $0x1082  }
0x22: {  	[simem:s7], [sflag:s8] =	dma.local @!p0 [hbm:s6], $0xF7A  }
0x23: {  	s9 =	sor.u32 $0xD0000000, s2;
	s6 =	simm.s32 $0x108;
	_ =	swait.ge @!p0 [sflag:s8], $0x0  }
0x24: {  	s3 =	sadd.s32 $0x88, s3;
	s6 =	simm.s32 @!p1 $0x1082;
	[sflag:s4] =	ssyncset.s32 $0xFFFFF086  }
0x25: {  	[simem:s6], [sflag:s4] =	dma.local [hbm:s3], $0xF7A  }
0x26: {  	[smem:$0x3F9B] =	sst s1;
	(tag) =	ssettag s2;
	_ =	strace s9  }
0x27: {  	s1 =	sld [smem:$0x3FAB]  }
0x28: {  	s2 =	sld [smem:$0x3FAC]  }
0x29: {  	s4 =	sld [smem:$0x3FAE]  }
0x2a: {  	p0 =	seq.s32 s5, $0x0;
	s5 =	sld [smem:$0x3FAF]  }
0x2b: {  	s6 =	sld [smem:$0x3FB0]  }
0x2c: {  	s7 =	sld [smem:$0x3FB1]  }
0x2d: {  	s3 =	simm.s32 $0x108;
	s8 =	sld [smem:$0x3FB2]  }
0x2e: {  	s3 =	simm.s32 @!p0 $0x1082;
	s9 =	sld [smem:$0x3FB3]  }
0x2f: {  	lr =	sadd.s32 s0, s3;
	s0 =	sld [smem:$0x3FAA]  }
0x30: {  	s3 =	sld [smem:$0x3FAD]  }
0x31: {  	[smem:$0x3FB6] =	sst s10  }
0x32: {  	s10 =	sld [smem:$0x3FB4];
	_ =	sdelay $0x3  }
0x33: {  	p0 =	seq.s32 s10, $0x1;
	s10 =	sld [smem:$0x3FB6];
	_ =	sdelay $0x3  }
0x34: {  	[smem:$0x3FB6] =	sst s10  }
0x35: {  	s10 =	sld [smem:$0x3FB5];
	_ =	sdelay $0x3  }
0x36: {  	p1 =	seq.s32 s10, $0x1;
	s10 =	sld [smem:$0x3FB6];
	_ =	sdelay $0x3  }
0x37: {  	[smem:$0x3FB6] =	sst s10  }
0x38: {  	s10 =	sld [smem:$0x3FB7]  }
0x39: {  	_ = 	snop;
	(pc) =	sbr.ind lr, $3  }
0x3a: {  	_ = 	snop  }
0x3b: {  	_ = 	snop  }
0x3c: {  	p2 =	seq.s32 s10, $0x1;
	s10 =	sld [smem:$0x3FB6]  }
0x3d: {  	_ =	shalt  }
0x3e: {  	_ =	shalt  }
0x3f: {  	_ =	shalt  }
0x40: {  	_ =	shalt  }
0x41: {  	_ =	shalt  }
0x42: {  	_ =	shalt  }
0x43: {  	_ =	shalt  }
0x44: {  	_ =	shalt  }
0x45: {  	_ =	shalt  }
0x46: {  	_ =	shalt  }
0x47: {  	_ =	shalt  }
0x48: {  	_ =	shalt  }
0x49: {  	_ =	shalt  }
0x4a: {  	_ =	shalt  }
0x4b: {  	_ =	shalt  }
0x4c: {  	_ =	shalt  }
0x4d: {  	_ =	shalt  }
0x4e: {  	_ =	shalt  }
0x4f: {  	_ =	shalt  }
0x50: {  	_ =	shalt  }
0x51: {  	_ =	shalt  }
0x52: {  	_ =	shalt  }
0x53: {  	_ =	shalt  }
0x54: {  	_ =	shalt  }
0x55: {  	_ =	shalt  }
0x56: {  	_ =	shalt  }
0x57: {  	_ =	shalt  }
0x58: {  	_ =	shalt  }
0x59: {  	_ =	shalt  }
0x5a: {  	_ =	shalt  }
0x5b: {  	_ =	shalt  }
0x5c: {  	_ =	shalt  }
0x5d: {  	_ =	shalt  }
0x5e: {  	_ =	shalt  }
0x5f: {  	_ =	shalt  }
0x60: {  	_ =	shalt  }
0x61: {  	_ =	shalt  }
0x62: {  	_ =	shalt  }
0x63: {  	_ =	shalt  }
0x64: {  	_ =	shalt  }
0x65: {  	_ =	shalt  }
0x66: {  	_ =	shalt  }
0x67: {  	_ =	shalt  }
0x68: {  	_ =	shalt  }
0x69: {  	_ =	shalt  }
0x6a: {  	_ =	shalt  }
0x6b: {  	_ =	shalt  }
0x6c: {  	_ =	shalt  }
0x6d: {  	_ =	shalt  }
0x6e: {  	_ =	shalt  }
0x6f: {  	_ =	shalt  }
0x70: {  	_ =	shalt  }
0x71: {  	_ =	shalt  }
0x72: {  	_ =	shalt  }
0x73: {  	_ =	shalt  }
0x74: {  	_ =	shalt  }
0x75: {  	_ =	shalt  }
0x76: {  	_ =	shalt  }
0x77: {  	_ =	shalt  }
0x78: {  	_ =	shalt  }
0x79: {  	_ =	shalt  }
0x7a: {  	_ =	shalt  }
0x7b: {  	_ =	shalt  }
0x7c: {  	_ =	shalt  }
0x7d: {  	_ =	shalt  }
0x7e: {  	_ =	shalt  }
0x7f: {  	_ =	shalt  }
0x80: {  	_ =	shalt  }
0x81: {  	_ =	shalt  }
0x82: {  	_ =	shalt  }
0x83: {  	_ =	shalt  }
0x84: {  	_ =	shalt  }
0x85: {  	_ =	shalt  }
0x86: {  	_ =	shalt  }
0x87: {  	_ =	shalt  }
.Lfunc_end0:
.L_simem_size_0:
called_computation_lowered:
.L_overlay_start_0:
0x88: {  	s2 =	sld [smem:$0x3FD9]  }
0x89: {  	s3 =	sld [smem:$0x3FFE];
	_ =	sdelay $0x1  }
0x8a: {  	s1 =	srdreg.scid  }
0x8b: {  	s0 =	sand.u32 $0x1, s1  }
0x8c: {  	s16 =	sshll.u32 s0, $0xA;
	s2 =	sadd.s32 s3, s2  }
0x8d: {  	s2 =	sadd.s32 s2, s16  }
0x8e: {  	[smem:$0x3FC2] =	sst s2  }
0x8f: {  	_ = 	snop  }
0x90: {  	(tm) =	ssettm $0x1  }
0x91: {  	s17 =	sld [smem:$0x3FFB];
	_ =	sdelay $0x3  }
0x92: {  	_ =	strace s17  }
0x93: {  	s2 =	sld [smem:$0x3FFC];
	_ =	sdelay $0x3  }
0x94: {  	_ =	strace s2  }
0x95: {  	s2 =	sld [smem:$0x3FFD];
	_ =	sdelay $0x3  }
0x96: {  	_ =	strace s2  }
0x97: {  	_ =	strace $0x8FFFFFFF  }
0x98: {  	s18 =	sld [smem:$0x3FDB];
	_ =	sdelay $0x1  }
0x99: {  	s19 =	simm.s32 $_scs_section_size  }
0x9a: {  	s4 =	simm.s32 $_size__tile_overlayer_lowered;
	s5 =	simm.s32 $_tile_overlayer_lowered  }
0x9b: {  	s22 =	simm.s32 $0x1BFF;
	s21 =	sshll.u32 s5, $0x1;
	s2 =	sadd.s32 s19, s18  }
0x9c: {  	s6 =	simm.s32 $0x0;
	s20 =	sshll.u32 s4, $0x1;
	s4 =	sadd.s32 s21, s2  }
0x9d: {  	[timem:s6], [sflag:s22] =	dma.local [hbm:s4], s20  }
0x9e: {  	_ =	swait.ge [sflag:s22], s20  }
0x9f: {  	s3 =	ssub.s32 $0x0, s20;
	[sflag:s22] =	ssyncset.done $0x0  }
0xa0: {  	[sflag:s22] =	ssyncadd.s32 s3;
	_ =	sdelay $0x1  }
0xa1: {  	s23 =	simm.s32 $0x1B8B  }
0xa2: {  	_ =	swait.ge [sflag:s23], $0x1  }
0xa3: {  	[sflag:s23] =	ssyncset.done $0x0  }
0xa4: {  	s25 =	simm.s32 $0x1B8E;
	s24 =	sld [smem:$0x3FFE];
	[sflag:s23] =	ssyncadd.s32 $0xFFFFFFFF  }
0xa5: {  	s26 =	simm.s32 $execute0_lowered;
	[smem:$0x3FD2] =	sst s25  }
0xa6: {  	s4 =	sshll.u32 s26, $0x1;
	_ =	strace $0x80000046;
	[dreg:$0x1] =	wrdreg $0xFFFFFFFF  }
0xa7: {  	s28 =	simm.s32 $_size_execute0_lowered;
	s2 =	sadd.s32 s2, s4;
	[dreg:$0x0] =	wrdreg $0x0  }
0xa8: {  	s4 =	sshll.u32 s28, $0x1;
	[dreg:$0x2] =	wrdreg s2  }
0xa9: {  	[dreg:$0x3] =	wrdreg s4  }
0xaa: {  	[dreg:$0x4] =	wrdreg $0xC0  }
0xab: {  	_ =	task [dreg:s6], $0x5FFFF  }
0xac: {  	[dreg:$0x1] =	wrdreg $0xFFFFFFFF  }
0xad: {  	[dreg:$0x0] =	wrdreg $0x60  }
0xae: {  	[dreg:$0x2] =	wrdreg s24  }
0xaf: {  	[dreg:$0x3] =	wrdreg $0x9  }
0xb0: {  	_ =	task.clear_ibuf [dreg:s6], $0x4FFFF;
	_ =	strace $0x90000046  }
0xb1: {  	s29 =	simm.s32 $0x9;
	_ =	strace $0x80000048  }
0xb2: {  	_ =	swait.ge [sflag:s29], $0x1  }
0xb3: {  	[sflag:s29] =	ssyncadd.s32 $0xFFFFFFFF  }
0xb4: {  	_ =	strace $0x90000048  }
0xb5: {  	_ =	sfence  }
0xb6: {  	s30 =	sld [smem:$0x0];
	_ =	sdelay $0x2  }
0xb7: {  	s31 =	sshll.u32 s1, $0xD;
	s1 =	sshrl.u32 s1, $0x2  }
0xb8: {  	s3 =	sand.u32 $0x4000, s31;
	s1 =	sadd.s32 s1, s30  }
0xb9: {  	s0 =	sor.u32 s3, s0;
	s1 =	sshll.u32 s1, $0x11  }
0xba: {  	s0 =	sor.u32 s1, s0  }
0xbb: {  	s0 =	sadd.s32 $0x8F2B, s0  }
0xbc: {  	[sflag:s0] =	ssyncadd.remote.s32 $0x1  }
0xbd: {  	_ =	sfence.sel $0xFFFF  }
0xbe: {  	[dreg:$0x0] =	wrdreg $0xFFFFFFFF;
	(pc) =	sbr.abs _section_cstart, $3  }
0xbf: {  	[dreg:$0x1] =	wrdreg $0xFFFFFFFF  }
0xc0: {  	_ =	task.clear_ibuf [dreg:s6], $0x2FFFF;
	_ =	strace $0x9FFFFFFF  }
0xc1: {  	(tm) =	ssettm $0x7FFFFFFF  }
tec
execute0_lowered:
.L_overlay_start_1:
0x0: {  	(tag) =	ssettag $0x1  }
0x1: {  	s1 =	srdreg.scid  }
0x2: {  	s0 =	stileid.u32;
	s3 =	sand.u32 $0x1, s1  }
0x3: {  	s4 =	sshll.u32 s0, $0x5;
	s6 =	sshll.u32 s3, $0x4  }
0x4: {  	s5 =	rddreg [dreg:$0x0];
	s2 =	simm.s32 $0x0;
	s4 =	sor.u32 s6, s4  }
0x5: {  	[smem:$0x7FF] =	sst s2;
	s6 =	sadd.s32 s4, s5  }
0x6: {  	s1 =	rddreg [dreg:$0x1];
	_ =	strace $0x80000047;
	s14 =	sadd.s32 $0x1A00, s6  }
0x7: {  	[tilespmem:s2], [sflag:$0x1] =	stream.linear.gather [hbm4b:s14+s2], $0x80, $0x38;
	[tilespmem:$0x380] =	vst v63  }
0x8: {  	s7 =	simm.s32 $0x80;
	s4 =	simm.s32 $0x1;
	s15 =	sadd.s32 $0x1C00, s6  }
0x9: {  	[tilespmem:s7], [sflag:$0x1] =	stream.linear.gather [hbm4b:s15+s2], $0x80, $0x38;
	[tilespmem:$0x380] =	vst v63  }
0xa: {  	_ =	swait.ge [sflag:s4], $0x80  }
0xb: {  	[sflag:s4] =	ssyncset.done $0x0  }
0xc: {  	[sflag:s4] =	ssyncadd.s32 $0xFFFFFF80  }
0xd: {  	_ =	swait.ge [sflag:s4], $0x80  }
0xe: {  	[sflag:s4] =	ssyncset.done $0x0  }
0xf: {  	[sflag:s4] =	ssyncadd.s32 $0xFFFFFF80  }
0x10: {  	v10 =	vld [tilespmem:$0xF0]  }
0x11: {  	s3 =	ssub.s32 $0x2, s3;
	v1 =	vld [tilespmem:$0x10]  }
0x12: {  	s10 =	sshrl.u32 s3, $0x1;
	v5 =	vld [tilespmem:$0x90]  }
0x13: {  	s31 =	ssub.s32 s3, s10;
	v7 =	vld [tilespmem:$0x70]  }
0x14: {  	s16 =	smax.u32 s31, $0x1;
	v4 =	vld [tilespmem:$0xE0]  }
0x15: {  	p0 =	sne.s32 s16, $0x1;
	v0 =	vld [tilespmem:$0x60]  }
.Ltmp0:
0x16: {  	v2 =	vld [tilespmem:$0xD0];
	v6 =	vmul.u32 $0x3E8, v1;
	(pc) =	sbr.rel @!p0 .LBB2_2-.Ltmp0, $4  }
0x17: {  	s11 =	simm.s32 $0x200;
	v3 =	vld [tilespmem:$0xC0];
	v8 =	vmul.u32 $0x3E8, v10;
	v9 =	vmul.u32 $0x3E8, v5  }
0x18: {  	s12 =	simm.s32 $0x180;
	s13 =	simm.s32 $0x280;
	s8 =	sadd.s32 $0x20800, s5;
	v11 =	vmul.u32 $0x3E8, v7;
	v5 =	vadd.s32 v5, v6;
	v6 =	vld [tilespmem:$0x50]  }
0x19: {  	s9 =	sadd.s32 $0x1E00, s5;
	s10 =	simm.s32 $0x100;
	s5 =	simm.s32 $0x2;
	v8 =	vadd.s32 v7, v8;
	v9 =	vadd.s32 v1, v9;
	v7 =	vld [tilespmem:$0x40];
	[tilespmem:$0x190] =	vst v5  }
0x1a: {  	s3 =	sadd.s32 $0x3F200, s6;
	s6 =	simm.s32 $0x300;
	s16 =	sadd.s32 $0xFFFFFFFF, s16;
	v1 =	vmul.u32 $0x3E8, v4;
	v10 =	vadd.s32 v10, v11;
	[tilespmem:$0x110] =	vst v9;
	v5 =	vld [tilespmem:$0xB0];
	v9 =	vmul.u32 $0x3E8, v0  }
.LBB2_1:
0x1b: {  	p0 =	sne.s32 s16, $0x1;
	s16 =	sadd.s32 $0xFFFFFFFF, s16;
	v11 =	vld [tilespmem:$0x30];
	v12 =	vmul.u32 $0x3E8, v2;
	[tilespmem:$0x170] =	vst v8  }
0x1c: {  	v8 =	vld [tilespmem:$0xA0];
	v13 =	vmul.u32 $0x3E8, v3;
	v4 =	vadd.s32 v4, v9;
	[tilespmem:$0x1F0] =	vst v10  }
0x1d: {  	v9 =	vld [tilespmem:$0x20];
	v10 =	vadd.s32 v6, v12;
	v6 =	vmul.u32 $0x3E8, v6;
	[tilespmem:$0x1E0] =	vst v4  }
0x1e: {  	v4 =	vld [tilespmem:$0x80];
	v12 =	vadd.s32 v7, v13;
	v7 =	vmul.u32 $0x3E8, v7;
	[tilespmem:$0x150] =	vst v10  }
0x1f: {  	v10 =	vld [tilespmem:$0x0];
	v13 =	vmul.u32 $0x3E8, v5;
	[tilespmem:$0x140] =	vst v12;
	v2 =	vadd.s32 v2, v6  }
0x20: {  	v6 =	vmul.u32 $0x3E8, v11;
	v3 =	vadd.s32 v3, v7;
	[tilespmem:$0x1D0] =	vst v2  }
0x21: {  	v2 =	vmul.u32 $0x3E8, v8;
	v7 =	vadd.s32 v11, v13;
	[tilespmem:$0x1C0] =	vst v3  }
0x22: {  	v3 =	vmul.u32 $0x3E8, v9;
	[tilespmem:$0x130] =	vst v7;
	v5 =	vadd.s32 v5, v6  }
0x23: {  	v6 =	vmul.u32 $0x3E8, v4;
	v2 =	vadd.s32 v9, v2;
	[tilespmem:$0x1B0] =	vst v5  }
0x24: {  	v5 =	vmul.u32 $0x3E8, v10;
	[tilespmem:$0x120] =	vst v2;
	v2 =	vadd.s32 v8, v3  }
0x25: {  	v3 =	vadd.s32 v10, v6;
	[tilespmem:$0x1A0] =	vst v2  }
0x26: {  	v0 =	vadd.s32 v0, v1;
	[tilespmem:$0x100] =	vst v3;
	v2 =	vadd.s32 v4, v5  }
0x27: {  	[tilespmem:$0x180] =	vst v2  }
0x28: {  	[tilespmem:$0x160] =	vst v0  }
0x29: {  	[tilespmem:s11], [sflag:$0x1] =	stream.indirect.gather [hbm4b:s8+s7], $0x1, s10, s7, $0xb8;
	[tilespmem:$0x380] =	vst v63  }
0x2a: {  	_ = 	snop  }
0x2b: {  	[tilespmem:s13], [sflag:$0x1] =	stream.indirect.gather [hbm4b:s9+s7], $0x1, s12, s7, $0xb8;
	[tilespmem:$0x380] =	vst v63  }
0x2c: {  	_ =	swait.ge [sflag:s4], $0x80  }
0x2d: {  	[sflag:s4] =	ssyncset.done $0x0  }
0x2e: {  	[sflag:s4] =	ssyncadd.s32 $0xFFFFFF80  }
0x2f: {  	_ =	swait.ge [sflag:s4], $0x80  }
0x30: {  	[sflag:s4] =	ssyncset.done $0x0  }
0x31: {  	[sflag:s4] =	ssyncadd.s32 $0xFFFFFF80  }
0x32: {  	v0 =	vld [tilespmem:$0x200]  }
0x33: {  	v1 =	vld [tilespmem:$0x280]  }
0x34: {  	v2 =	vld [tilespmem:$0x210]  }
0x35: {  	v3 =	vld [tilespmem:$0x290]  }
0x36: {  	v4 =	vld [tilespmem:$0x220]  }
0x37: {  	v0 =	vadd.f32 $0.0e+00, v0;
	v5 =	vld [tilespmem:$0x2A0]  }
0x38: {  	v6 =	vld [tilespmem:$0x230];
	v1 =	vadd.f32 $0.0e+00, v1  }
0x39: {  	v0 =	vadd.f32 v2, v0;
	v2 =	vld [tilespmem:$0x2B0]  }
0x3a: {  	v7 =	vld [tilespmem:$0x240];
	v1 =	vadd.f32 v3, v1  }
0x3b: {  	v0 =	vadd.f32 v4, v0;
	v3 =	vld [tilespmem:$0x2C0]  }
0x3c: {  	v4 =	vld [tilespmem:$0x250];
	v1 =	vadd.f32 v5, v1  }
0x3d: {  	v0 =	vadd.f32 v6, v0;
	v5 =	vld [tilespmem:$0x2D0]  }
0x3e: {  	v6 =	vld [tilespmem:$0x260];
	v1 =	vadd.f32 v2, v1  }
0x3f: {  	v0 =	vadd.f32 v7, v0;
	v2 =	vld [tilespmem:$0x2E0]  }
0x40: {  	v7 =	vld [tilespmem:$0x270];
	v1 =	vadd.f32 v3, v1  }
0x41: {  	v0 =	vadd.f32 v4, v0;
	v3 =	vld [tilespmem:$0x2F0]  }
0x42: {  	v1 =	vadd.f32 v5, v1  }
0x43: {  	v0 =	vadd.f32 v6, v0  }
0x44: {  	v1 =	vadd.f32 v2, v1  }
0x45: {  	v0 =	vadd.f32 v7, v0  }
0x46: {  	v1 =	vadd.f32 v3, v1  }
0x47: {  	[tilespmem:$0x300] =	vst v0  }
0x48: {  	[tilespmem:$0x310] =	vst v1  }
0x49: {  	[hbm4b:s3+s2] =	stream.linear.scatter [tilespmem:s6], [sflag:$0x2], $0x80, $0x38;
	[tilespmem:$0x380] =	vst v63  }
0x4a: {  	_ =	swait.ge [sflag:s5], $0x80  }
0x4b: {  	[sflag:s5] =	ssyncset.done $0x0  }
0x4c: {  	[sflag:s5] =	ssyncadd.s32 $0xFFFFFF80  }
0x4d: {  	[tilespmem:s2], [sflag:$0x1] =	stream.linear.gather [hbm4b:s14+s2], $0x80, $0x38;
	[tilespmem:$0x380] =	vst v63  }
0x4e: {  	_ = 	snop  }
0x4f: {  	[tilespmem:s7], [sflag:$0x1] =	stream.linear.gather [hbm4b:s15+s2], $0x80, $0x38;
	[tilespmem:$0x380] =	vst v63  }
0x50: {  	_ =	swait.ge [sflag:s4], $0x80  }
0x51: {  	[sflag:s4] =	ssyncset.done $0x0  }
0x52: {  	[sflag:s4] =	ssyncadd.s32 $0xFFFFFF80  }
0x53: {  	_ =	swait.ge [sflag:s4], $0x80  }
0x54: {  	[sflag:s4] =	ssyncset.done $0x0  }
0x55: {  	[sflag:s4] =	ssyncadd.s32 $0xFFFFFF80  }
0x56: {  	v10 =	vld [tilespmem:$0xF0]  }
0x57: {  	v1 =	vld [tilespmem:$0x10]  }
0x58: {  	v5 =	vld [tilespmem:$0x90]  }
0x59: {  	v7 =	vld [tilespmem:$0x70]  }
0x5a: {  	v4 =	vld [tilespmem:$0xE0]  }
0x5b: {  	v0 =	vld [tilespmem:$0x60];
	v8 =	vmul.u32 $0x3E8, v10  }
.Ltmp1:
0x5c: {  	v6 =	vmul.u32 $0x3E8, v1;
	v2 =	vld [tilespmem:$0xD0];
	(pc) =	sbr.rel @p0 .LBB2_1-.Ltmp1, $4  }
0x5d: {  	v9 =	vmul.u32 $0x3E8, v5;
	v3 =	vld [tilespmem:$0xC0]  }
0x5e: {  	v5 =	vadd.s32 v5, v6;
	v6 =	vld [tilespmem:$0x50];
	v8 =	vadd.s32 v7, v8;
	v11 =	vmul.u32 $0x3E8, v7  }
0x5f: {  	v9 =	vadd.s32 v1, v9;
	[tilespmem:$0x190] =	vst v5;
	v7 =	vld [tilespmem:$0x40];
	v1 =	vmul.u32 $0x3E8, v4  }
0x60: {  	[tilespmem:$0x110] =	vst v9;
	v5 =	vld [tilespmem:$0xB0];
	v9 =	vmul.u32 $0x3E8, v0;
	v10 =	vadd.s32 v10, v11  }
.LBB2_2:
0x61: {  	[tilespmem:$0x170] =	vst v8  }
0x62: {  	v11 =	vld [tilespmem:$0x30];
	v12 =	vmul.u32 $0x3E8, v2;
	[tilespmem:$0x1F0] =	vst v10;
	v4 =	vadd.s32 v4, v9  }
0x63: {  	v27 =	vld [tilespmem:$0xA0];
	v13 =	vmul.u32 $0x3E8, v3;
	v0 =	vadd.s32 v0, v1;
	[tilespmem:$0x1E0] =	vst v4  }
0x64: {  	v28 =	vld [tilespmem:$0x20];
	v29 =	vadd.s32 v6, v12;
	v30 =	vmul.u32 $0x3E8, v6;
	[tilespmem:$0x160] =	vst v0  }
0x65: {  	v31 =	vld [tilespmem:$0x80];
	v32 =	vadd.s32 v7, v13;
	v33 =	vmul.u32 $0x3E8, v7;
	[tilespmem:$0x150] =	vst v29  }
0x66: {  	v34 =	vld [tilespmem:$0x0];
	v35 =	vmul.u32 $0x3E8, v5;
	[tilespmem:$0x140] =	vst v32;
	v36 =	vadd.s32 v2, v30  }
0x67: {  	v37 =	vmul.u32 $0x3E8, v11;
	v38 =	vadd.s32 v3, v33;
	[tilespmem:$0x1D0] =	vst v36  }
0x68: {  	v39 =	vmul.u32 $0x3E8, v27;
	v40 =	vadd.s32 v11, v35;
	[tilespmem:$0x1C0] =	vst v38  }
0x69: {  	v41 =	vmul.u32 $0x3E8, v28;
	[tilespmem:$0x130] =	vst v40;
	v42 =	vadd.s32 v5, v37  }
0x6a: {  	v43 =	vmul.u32 $0x3E8, v31;
	v2 =	vadd.s32 v28, v39;
	[tilespmem:$0x1B0] =	vst v42  }
0x6b: {  	v44 =	vmul.u32 $0x3E8, v34;
	v45 =	vadd.s32 v27, v41;
	[tilespmem:$0x120] =	vst v2  }
0x6c: {  	v46 =	vadd.s32 v34, v43;
	[tilespmem:$0x1A0] =	vst v45  }
0x6d: {  	v47 =	vadd.s32 v31, v44;
	[tilespmem:$0x100] =	vst v46  }
0x6e: {  	[tilespmem:$0x180] =	vst v47  }
0x6f: {  	[tilespmem:s11], [sflag:$0x1] =	stream.indirect.gather [hbm4b:s8+s7], $0x1, s10, s7, $0xb8;
	[tilespmem:$0x380] =	vst v63  }
0x70: {  	_ = 	snop  }
0x71: {  	[tilespmem:s13], [sflag:$0x1] =	stream.indirect.gather [hbm4b:s9+s7], $0x1, s12, s7, $0xb8;
	[tilespmem:$0x380] =	vst v63  }
0x72: {  	_ =	swait.ge [sflag:s4], $0x80  }
0x73: {  	[sflag:s4] =	ssyncset.done $0x0  }
0x74: {  	[sflag:s4] =	ssyncadd.s32 $0xFFFFFF80  }
0x75: {  	_ =	swait.ge [sflag:s4], $0x80  }
0x76: {  	[sflag:s4] =	ssyncset.done $0x0  }
0x77: {  	[sflag:s4] =	ssyncadd.s32 $0xFFFFFF80  }
0x78: {  	v48 =	vld [tilespmem:$0x200]  }
0x79: {  	v49 =	vld [tilespmem:$0x280]  }
0x7a: {  	v50 =	vld [tilespmem:$0x210]  }
0x7b: {  	v51 =	vld [tilespmem:$0x290]  }
0x7c: {  	v52 =	vld [tilespmem:$0x220]  }
0x7d: {  	v53 =	vld [tilespmem:$0x2A0];
	v0 =	vadd.f32 $0.0e+00, v48  }
0x7e: {  	v54 =	vld [tilespmem:$0x230];
	v1 =	vadd.f32 $0.0e+00, v49  }
0x7f: {  	v55 =	vld [tilespmem:$0x2B0];
	v0 =	vadd.f32 v50, v0  }
0x80: {  	v56 =	vld [tilespmem:$0x240];
	v1 =	vadd.f32 v51, v1  }
0x81: {  	v57 =	vld [tilespmem:$0x2C0];
	v0 =	vadd.f32 v52, v0  }
0x82: {  	v58 =	vld [tilespmem:$0x250];
	v1 =	vadd.f32 v53, v1  }
0x83: {  	v59 =	vld [tilespmem:$0x2D0];
	v0 =	vadd.f32 v54, v0  }
0x84: {  	v60 =	vld [tilespmem:$0x260];
	v1 =	vadd.f32 v55, v1  }
0x85: {  	v61 =	vld [tilespmem:$0x2E0];
	v0 =	vadd.f32 v56, v0  }
0x86: {  	v62 =	vld [tilespmem:$0x270];
	v1 =	vadd.f32 v57, v1  }
0x87: {  	v63 =	vld [tilespmem:$0x2F0];
	v0 =	vadd.f32 v58, v0  }
0x88: {  	v1 =	vadd.f32 v59, v1  }
0x89: {  	v0 =	vadd.f32 v60, v0  }
0x8a: {  	v1 =	vadd.f32 v61, v1  }
0x8b: {  	v0 =	vadd.f32 v62, v0  }
0x8c: {  	v1 =	vadd.f32 v63, v1  }
0x8d: {  	[tilespmem:$0x300] =	vst v0  }
0x8e: {  	[tilespmem:$0x310] =	vst v1  }
0x8f: {  	[hbm4b:s3+s2] =	stream.linear.scatter [tilespmem:s6], [sflag:$0x2], $0x80, $0x38;
	[tilespmem:$0x380] =	vst v63  }
0x90: {  	_ =	swait.ge [sflag:s5], $0x80  }
0x91: {  	[sflag:s5] =	ssyncset.done $0x0  }
0x92: {  	[sflag:s5] =	ssyncadd.s32 $0xFFFFFF80  }
0x93: {  	_ =	sfence.sel $0x180000  }
0x94: {  	[bflag:$0x0] =	sbarrier.arrive $0xFFFF  }
0x95: {  	p0 =	sne.s32 s0, $0x0;
	_ =	strace $0x90000047  }
0x96: {  	s0 =	sadd.s32 @!p0 $0x100000, s1;
	[bflag:$0x2] =	sbarrier.arrive $0xFFFF  }
0x97: {  	[sflag:s0] =	ssyncadd.tile.s32 @!p0 $0x1;
	_ =	shalt  }
.Lfunc_end2:
_tile_overlayer_lowered:
.L_overlay_start_2:
0x98: {  	(tag) =	ssettag $0x2  }
0x99: {  	s0 =	rddreg [dreg:$0x0];
	s2 =	stileid.u32  }
0x9a: {  	s1 =	rddreg [dreg:$0x1];
	p0 =	sne.s32 s2, $0x0  }
0x9b: {  	s3 =	rddreg [dreg:$0x2];
	[bflag:$0x3] =	sbarrier.arrive $0xFFFF;
	s2 =	simm.s32 @!p0 $0x1C02  }
0x9c: {  	[timem:s3], [sflag:s2] =	dma.local @!p0 [hbm:s0], s1  }
0x9d: {  	s0 =	simm.s32 @!p0 $0x2  }
0x9e: {  	_ =	swait.ge @!p0 [sflag:s0], s1  }
0x9f: {  	s1 =	ssub.s32 @!p0 $0x0, s1;
	[sflag:s0] =	ssyncset.done @!p0 $0x0  }
0xa0: {  	[sflag:s0] =	ssyncadd.s32 @!p0 s1  }
0xa1: {  	[bflag:$0x3] =	sbarrier.arrive $0xFFFF  }
0xa2: {  	_ =	shalt  }

</sc_bundles>
